<compile_context>
chip_gen: v7x
topology: tpu7x:2x2x1
jax: 0.10.2.dev20260603
libtpu: 0.0.44.dev20260713+nightly
codegen_flags: <defaults>
</compile_context>

<pallas_src>
import functools

import jax
import jax.numpy as jnp
from jax import lax
from jax.experimental import pallas as pl
from jax.experimental.pallas import tpu as pltpu
from jax.experimental.pallas import tpu_sc as plsc

_N = 10000
_E = 320000
_F = 128
_G = 64

_NC = 2
_NS = 16
_NW = _NC * _NS
_CHUNK = 125
_CPW = 80
_CPP = 40
_NCHUNKS = _NW * _CPW
_NPH = _CPW // _CPP
_NPAD = 10240
_RPS = _NPAD // _NS


def _segment_sum_sc(h, src2d, dst2d, zeros):
    mesh = plsc.VectorSubcoreMesh(core_axis_name="c", subcore_axis_name="s")

    @functools.partial(
        pl.kernel,
        mesh=mesh,
        out_type=jax.ShapeDtypeStruct((_NC, _NPAD, _F), jnp.float32),
        scratch_types=[
            pltpu.VMEM((_CPP, _CHUNK), jnp.int32),
            pltpu.VMEM((_CPP, _CHUNK), jnp.int32),
            pltpu.VMEM((_CHUNK, _F), jnp.float32),
            pltpu.VMEM((_CHUNK, _F), jnp.float32),
            pltpu.SemaphoreType.DMA,
            pltpu.SemaphoreType.DMA,
            pltpu.VMEM_SHARED((_NPAD, _F), jnp.float32),
        ],
    )
    def k(h_hbm, src_hbm, dst_hbm, zeros_hbm, out_hbm,
          src_v, dst_v, rows0, rows1, sem0, sem1, acc):
        cid = lax.axis_index("c")
        sid = lax.axis_index("s")
        wid = sid * _NC + cid
        pltpu.sync_copy(zeros_hbm.at[pl.ds(sid * _RPS, _RPS)],
                        acc.at[pl.ds(sid * _RPS, _RPS)])
        plsc.subcore_barrier()

        for ph in range(_NPH):
            blk = wid * _NPH + ph
            pltpu.sync_copy(src_hbm.at[blk], src_v)
            pltpu.sync_copy(dst_hbm.at[blk], dst_v)
            pltpu.async_copy(h_hbm.at[src_v.at[0]], rows0, sem0)

            def body(i, carry):
                c = 2 * i
                pltpu.make_async_copy(h_hbm.at[src_v.at[c]], rows0, sem0).wait()
                pltpu.async_copy(h_hbm.at[src_v.at[c + 1]], rows1, sem1)
                pltpu.sync_copy(rows0, acc.at[dst_v.at[c]], add=True)
                pltpu.make_async_copy(h_hbm.at[src_v.at[c + 1]], rows1, sem1).wait()

                @pl.when(c + 2 < _CPP)
                def _():
                    pltpu.async_copy(h_hbm.at[src_v.at[c + 2]], rows0, sem0)

                pltpu.sync_copy(rows1, acc.at[dst_v.at[c + 1]], add=True)
                return carry

            lax.fori_loop(0, _CPP // 2, body, 0)
        plsc.subcore_barrier()
        pltpu.sync_copy(acc.at[pl.ds(sid * _RPS, _RPS)],
                        out_hbm.at[cid, pl.ds(sid * _RPS, _RPS)])

    return k(h, src2d, dst2d, zeros)


def _gru_block(p_ref, h_ref, wih_ref, whh_ref, bih_ref, bhh_ref):
    m = p_ref[0] + p_ref[1]
    gi = jnp.dot(m, wih_ref[...], preferred_element_type=jnp.float32) + bih_ref[...]
    gh = jnp.dot(h_ref[...], whh_ref[...], preferred_element_type=jnp.float32) + bhh_ref[...]
    r = jax.nn.sigmoid(gi[:, :_F] + gh[:, :_F])
    z = jax.nn.sigmoid(gi[:, _F:2 * _F] + gh[:, _F:2 * _F])
    n = jnp.tanh(gi[:, 2 * _F:] + r * gh[:, 2 * _F:])
    return (1.0 - z) * n + z * h_ref[...]


_R = 2000


def _gru_tc(p, h, wihT, whhT, bih, bhh):
    def body(p_ref, h_ref, wih_ref, whh_ref, bih_ref, bhh_ref, out_ref):
        out_ref[...] = _gru_block(p_ref, h_ref, wih_ref, whh_ref, bih_ref, bhh_ref)

    return pl.pallas_call(
        body,
        grid=(_N // _R,),
        in_specs=[
            pl.BlockSpec((2, _R, _F), lambda i: (0, i, 0)),
            pl.BlockSpec((_R, _F), lambda i: (i, 0)),
            pl.BlockSpec((_F, 3 * _F), lambda i: (0, 0)),
            pl.BlockSpec((_F, 3 * _F), lambda i: (0, 0)),
            pl.BlockSpec((1, 3 * _F), lambda i: (0, 0)),
            pl.BlockSpec((1, 3 * _F), lambda i: (0, 0)),
        ],
        out_specs=pl.BlockSpec((_R, _F), lambda i: (i, 0)),
        out_shape=jax.ShapeDtypeStruct((_N, _F), jnp.float32),
    )(p, h, wihT, whhT, bih, bhh)


def _softsign(x):
    return x / (1.0 + jnp.abs(x))


def _gru_attn_tc(q, h, data, wihT, whhT, bih, bhh, wi1h, wi1d, bi1v, wi2T, bi2v, wjT, bjv):
    def body(q_ref, h_ref, d_ref, wih_ref, whh_ref, bih_ref, bhh_ref,
             wi1h_ref, wi1d_ref, bi1_ref, wi2_ref, bi2_ref, wj_ref, bj_ref, out_ref):
        h2 = _gru_block(q_ref, h_ref, wih_ref, whh_ref, bih_ref, bhh_ref)
        d = d_ref[...]
        a = _softsign(jnp.dot(h2, wi1h_ref[...], preferred_element_type=jnp.float32)
                      + jnp.dot(d, wi1d_ref[...], preferred_element_type=jnp.float32)
                      + bi1_ref[...])
        a = _softsign(jnp.dot(a, wi2_ref[...], preferred_element_type=jnp.float32)
                      + bi2_ref[...])
        a = a - jnp.max(a, axis=1, keepdims=True)
        a = jnp.exp(a)
        a = a / jnp.sum(a, axis=1, keepdims=True)
        j = _softsign(jnp.dot(d, wj_ref[...], preferred_element_type=jnp.float32)
                      + bj_ref[...])
        out_ref[...] = a * j

    return pl.pallas_call(
        body,
        grid=(_N // _R,),
        in_specs=[
            pl.BlockSpec((2, _R, _F), lambda i: (0, i, 0)),
            pl.BlockSpec((_R, _F), lambda i: (i, 0)),
            pl.BlockSpec((_R, _F), lambda i: (i, 0)),
            pl.BlockSpec((_F, 3 * _F), lambda i: (0, 0)),
            pl.BlockSpec((_F, 3 * _F), lambda i: (0, 0)),
            pl.BlockSpec((1, 3 * _F), lambda i: (0, 0)),
            pl.BlockSpec((1, 3 * _F), lambda i: (0, 0)),
            pl.BlockSpec((_F, _F), lambda i: (0, 0)),
            pl.BlockSpec((_F, _F), lambda i: (0, 0)),
            pl.BlockSpec((1, _F), lambda i: (0, 0)),
            pl.BlockSpec((_F, _G), lambda i: (0, 0)),
            pl.BlockSpec((1, _G), lambda i: (0, 0)),
            pl.BlockSpec((_F, _G), lambda i: (0, 0)),
            pl.BlockSpec((1, _G), lambda i: (0, 0)),
        ],
        out_specs=pl.BlockSpec((_R, _G), lambda i: (i, 0)),
        out_shape=jax.ShapeDtypeStruct((_N, _G), jnp.float32),
    )(q, h, data, wihT, whhT, bih, bhh, wi1h, wi1d, bi1v, wi2T, bi2v, wjT, bjv)


def kernel(data, edge_index, edge_attr, weight, w_ih, w_hh, b_ih, b_hh, wi1, bi1, wi2, bi2, wj, bj):
    del edge_attr, weight
    src2d = edge_index[0].reshape(_NW * _NPH, _CPP, _CHUNK)
    dst2d = edge_index[1].reshape(_NW * _NPH, _CPP, _CHUNK)
    zeros = jnp.zeros((_NPAD, _F), jnp.float32)

    wihT = w_ih.T
    whhT = w_hh.T
    bihv = b_ih.reshape(1, -1)
    bhhv = b_hh.reshape(1, -1)
    wi1T = wi1.T
    wi1h = wi1T[:_F]
    wi1d = wi1T[_F:]
    bi1v = bi1.reshape(1, -1)
    wi2T = wi2.T
    bi2v = bi2.reshape(1, -1)
    wjT = wj.T
    bjv = bj.reshape(1, -1)

    p = _segment_sum_sc(data, src2d, dst2d, zeros)
    h1 = _gru_tc(p, data, wihT, whhT, bihv, bhhv)
    q = _segment_sum_sc(h1, src2d, dst2d, zeros)
    return _gru_attn_tc(q, h1, data, wihT, whhT, bihv, bhhv,
                        wi1h, wi1d, bi1v, wi2T, bi2v, wjT, bjv)

# --- scband reference (transcript-rebuilt; emitter-appended) ---
"""Pipeline reference for scband-potential-net-propagation-68367289418038 (READ-ONLY COPY).

The authoritative reference and input builder live on the scoring server;
editing this copy changes nothing except your own understanding.
"""

import jax, jax.numpy as jnp
import numpy as np

N = 10000
E = 320000
F = 128
G = 64
K = 2


def softsign(x):
    return x / (1.0 + jnp.abs(x))


def setup_inputs(seed: int = 0) -> dict:
    key = jax.random.key(seed)
    ks = jax.random.split(key, 16)
    data = jax.random.normal(ks[0], (N, F), dtype=jnp.float32)
    edge_index = jax.random.randint(ks[1], (2, E), 0, N, dtype=jnp.int32)
    edge_attr = jax.random.normal(ks[2], (E, 1), dtype=jnp.float32)
    bF = 1.0 / np.sqrt(F)
    # GatedGraphConv weight (note: its matmul result is overwritten in the original forward)
    weight = jax.random.uniform(ks[3], (K, F, F), dtype=jnp.float32, minval=-bF, maxval=bF)
    # GRUCell params (torch layout: [3*H, H], gate order r, z, n)
    w_ih = jax.random.uniform(ks[4], (3 * F, F), dtype=jnp.float32, minval=-bF, maxval=bF)
    w_hh = jax.random.uniform(ks[5], (3 * F, F), dtype=jnp.float32, minval=-bF, maxval=bF)
    b_ih = jax.random.uniform(ks[6], (3 * F,), dtype=jnp.float32, minval=-bF, maxval=bF)
    b_hh = jax.random.uniform(ks[7], (3 * F,), dtype=jnp.float32, minval=-bF, maxval=bF)
    # attention net_i: Linear(2F->F), Softsign, Linear(F->G), Softsign
    b2F = 1.0 / np.sqrt(2 * F)
    wi1 = jax.random.uniform(ks[8], (F, 2 * F), dtype=jnp.float32, minval=-b2F, maxval=b2F)
    bi1 = jax.random.uniform(ks[9], (F,), dtype=jnp.float32, minval=-b2F, maxval=b2F)
    wi2 = jax.random.uniform(ks[10], (G, F), dtype=jnp.float32, minval=-bF, maxval=bF)
    bi2 = jax.random.uniform(ks[11], (G,), dtype=jnp.float32, minval=-bF, maxval=bF)
    # attention net_j: Linear(F->G), Softsign
    wj = jax.random.uniform(ks[12], (G, F), dtype=jnp.float32, minval=-bF, maxval=bF)
    bj = jax.random.uniform(ks[13], (G,), dtype=jnp.float32, minval=-bF, maxval=bF)
    return {
        "data": data, "edge_index": edge_index, "edge_attr": edge_attr,
        "weight": weight, "w_ih": w_ih, "w_hh": w_hh, "b_ih": b_ih, "b_hh": b_hh,
        "wi1": wi1, "bi1": bi1, "wi2": wi2, "bi2": bi2, "wj": wj, "bj": bj,
    }


def gru_cell(m, h, w_ih, w_hh, b_ih, b_hh):
    gi = m @ w_ih.T + b_ih
    gh = h @ w_hh.T + b_hh
    i_r, i_z, i_n = jnp.split(gi, 3, axis=1)
    h_r, h_z, h_n = jnp.split(gh, 3, axis=1)
    r = jax.nn.sigmoid(i_r + h_r)
    z = jax.nn.sigmoid(i_z + h_z)
    n = jnp.tanh(i_n + r * h_n)
    return (1.0 - z) * n + z * h


def reference(data, edge_index, edge_attr, weight, w_ih, w_hh, b_ih, b_hh, wi1, bi1, wi2, bi2, wj, bj):
    # GatedGraphConv: x already has F channels so no zero-padding branch.
    h = data
    src = edge_index[0]
    dst = edge_index[1]
    for i in range(K):
        m = h @ weight[i]  # faithful to original: result immediately overwritten by propagate
        m = jax.ops.segment_sum(h[src], dst, num_segments=N)
        h = gru_cell(m, h, w_ih, w_hh, b_ih, b_hh)
    # PotentialNetAttention(h_1, h_0)
    cat = jnp.concatenate([h, data], axis=1)
    a = softsign(cat @ wi1.T + bi1)
    a = softsign(a @ wi2.T + bi2)
    a = jax.nn.softmax(a, axis=1)
    j = softsign(data @ wj.T + bj)
    return a * j

if __name__ == "__main__":
    import jax
    _d = setup_inputs()
    print(jax.jit(kernel)(*tuple(_d.values())))

</pallas_src>

<mosaic_0001>
#map = affine_map<(d0, d1) -> (0, 0)>
#map1 = affine_map<(d0, d1) -> (0, 0, 0)>
module attributes {stable_mosaic.version = 14 : i64} {
  func.func @k(%arg0: i32, %arg1: i32, %arg2: memref<10000x128xf32, #tpu.memory_space<hbm>>, %arg3: memref<64x40x125xi32, #tpu.memory_space<hbm>>, %arg4: memref<64x40x125xi32, #tpu.memory_space<hbm>>, %arg5: memref<10240x128xf32, #tpu.memory_space<hbm>>, %arg6: memref<2x10240x128xf32, #tpu.memory_space<hbm>>, %arg7: memref<40x125xi32, #tpu.memory_space<vmem>>, %arg8: memref<40x125xi32, #tpu.memory_space<vmem>>, %arg9: memref<125x128xf32, #tpu.memory_space<vmem>>, %arg10: memref<125x128xf32, #tpu.memory_space<vmem>>, %arg11: memref<!tpu.dma_semaphore, #tpu.memory_space<semaphore_mem>>, %arg12: memref<!tpu.dma_semaphore, #tpu.memory_space<semaphore_mem>>, %arg13: memref<10240x128xf32, #tpu.memory_space<vmem_shared>>) attributes {dimension_semantics = [#tpu.dimension_semantics<core_parallel>, #tpu.dimension_semantics<subcore_parallel>], iteration_bounds = array<i64: 2, 16>, scalar_prefetch = 0 : i64, scratch_operands = 7 : i64, tpu.core_type = #tpu.core_type<sc_vector_subcore>, window_params = [{transform_indices = #map}, {transform_indices = #map1}, {transform_indices = #map1}, {transform_indices = #map}, {transform_indices = #map1}]} {
    %mul3A = arith.constant 2 : i32
    %mul3A_0 = arith.muli %arg1, %mul3A : i32
    %add3A = arith.addi %mul3A_0, %arg0 : i32
    %mul3A_1 = arith.constant 640 : i32
    %mul3A_2 = arith.muli %arg1, %mul3A_1 : i32
    %mul3A_3 = arith.constant 640 : i32
    %mul3A_4 = arith.muli %arg1, %mul3A_3 : i32
    "tpu.region"() ({
      %run_scoped3A = tpu.sem_alloc : memref<!tpu.dma_semaphore, #tpu.memory_space<semaphore_mem>>
      %dma_start3A_42 = arith.constant 0 : i32
      %dma_start3A_43 = tpu.memref_slice %arg13[%mul3A_4, %dma_start3A_42] : memref<10240x128xf32, #tpu.memory_space<vmem_shared>> -> memref<640x128xf32, #tpu.memory_space<vmem_shared>>
      %dma_start3A_44 = arith.constant 0 : i32
      %dma_start3A_45 = tpu.memref_slice %arg5[%mul3A_2, %dma_start3A_44] : memref<10240x128xf32, #tpu.memory_space<hbm>> -> memref<640x128xf32, #tpu.memory_space<hbm>>
      tpu.enqueue_dma source(%dma_start3A_45 : memref<640x128xf32, #tpu.memory_space<hbm>>) target(%dma_start3A_43 : memref<640x128xf32, #tpu.memory_space<vmem_shared>>) target_semaphore(%run_scoped3A : memref<!tpu.dma_semaphore, #tpu.memory_space<semaphore_mem>>)
      %dma_wait3A = arith.constant 0 : i32
      %dma_wait3A_46 = tpu.memref_slice %arg13[%mul3A_4, %dma_wait3A] : memref<10240x128xf32, #tpu.memory_space<vmem_shared>> -> memref<640x128xf32, #tpu.memory_space<vmem_shared>>
      %dma_wait3A_47 = arith.constant 0 : i32
      %dma_wait3A_48 = tpu.memref_slice %arg5[%mul3A_2, %dma_wait3A_47] : memref<10240x128xf32, #tpu.memory_space<hbm>> -> memref<640x128xf32, #tpu.memory_space<hbm>>
      tpu.wait_dma2 semaphore(%run_scoped3A : memref<!tpu.dma_semaphore, #tpu.memory_space<semaphore_mem>>) src(%dma_wait3A_48 : memref<640x128xf32, #tpu.memory_space<hbm>>) dst(%dma_wait3A_46 : memref<640x128xf32, #tpu.memory_space<vmem_shared>>)
      tpu.yield
    }) : () -> ()
    %barrier3A = arith.constant 0 : index
    tpu.barrier barrier_id(%barrier3A)
    %mul3A_5 = arith.constant 2 : i32
    %mul3A_6 = arith.muli %add3A, %mul3A_5 : i32
    %add3A_7 = arith.constant 0 : i32
    %add3A_8 = arith.addi %mul3A_6, %add3A_7 : i32
    "tpu.region"() ({
      %run_scoped3A = tpu.sem_alloc : memref<!tpu.dma_semaphore, #tpu.memory_space<semaphore_mem>>
      %dma_start3A_42 = arith.constant 0 : i32
      %dma_start3A_43 = arith.constant 0 : i32
      %dma_start3A_44 = tpu.memref_slice %arg3[%add3A_8, %dma_start3A_42, %dma_start3A_43] : memref<64x40x125xi32, #tpu.memory_space<hbm>> -> memref<1x40x125xi32, #tpu.memory_space<hbm>>
      %dma_start3A_45 = tpu.memref_squeeze %dma_start3A_44 : memref<1x40x125xi32, #tpu.memory_space<hbm>> -> memref<40x125xi32, #tpu.memory_space<hbm>>
      %dma_start3A_46 = arith.constant 0 : i32
      %dma_start3A_47 = arith.constant 0 : i32
      %dma_start3A_48 = tpu.memref_slice %arg3[%add3A_8, %dma_start3A_46, %dma_start3A_47] : memref<64x40x125xi32, #tpu.memory_space<hbm>> -> memref<1x40x125xi32, #tpu.memory_space<hbm>>
      %dma_start3A_49 = tpu.memref_squeeze %dma_start3A_48 : memref<1x40x125xi32, #tpu.memory_space<hbm>> -> memref<40x125xi32, #tpu.memory_space<hbm>>
      tpu.enqueue_dma source(%dma_start3A_49 : memref<40x125xi32, #tpu.memory_space<hbm>>) target(%arg7 : memref<40x125xi32, #tpu.memory_space<vmem>>) target_semaphore(%run_scoped3A : memref<!tpu.dma_semaphore, #tpu.memory_space<semaphore_mem>>)
      %dma_wait3A = arith.constant 0 : i32
      %dma_wait3A_50 = arith.constant 0 : i32
      %dma_wait3A_51 = tpu.memref_slice %arg3[%add3A_8, %dma_wait3A, %dma_wait3A_50] : memref<64x40x125xi32, #tpu.memory_space<hbm>> -> memref<1x40x125xi32, #tpu.memory_space<hbm>>
      %dma_wait3A_52 = tpu.memref_squeeze %dma_wait3A_51 : memref<1x40x125xi32, #tpu.memory_space<hbm>> -> memref<40x125xi32, #tpu.memory_space<hbm>>
      %dma_wait3A_53 = arith.constant 0 : i32
      %dma_wait3A_54 = arith.constant 0 : i32
      %dma_wait3A_55 = tpu.memref_slice %arg3[%add3A_8, %dma_wait3A_53, %dma_wait3A_54] : memref<64x40x125xi32, #tpu.memory_space<hbm>> -> memref<1x40x125xi32, #tpu.memory_space<hbm>>
      %dma_wait3A_56 = tpu.memref_squeeze %dma_wait3A_55 : memref<1x40x125xi32, #tpu.memory_space<hbm>> -> memref<40x125xi32, #tpu.memory_space<hbm>>
      tpu.wait_dma2 semaphore(%run_scoped3A : memref<!tpu.dma_semaphore, #tpu.memory_space<semaphore_mem>>) src(%dma_wait3A_56 : memref<40x125xi32, #tpu.memory_space<hbm>>) dst(%arg7 : memref<40x125xi32, #tpu.memory_space<vmem>>)
      tpu.yield
    }) : () -> ()
    "tpu.region"() ({
      %run_scoped3A = tpu.sem_alloc : memref<!tpu.dma_semaphore, #tpu.memory_space<semaphore_mem>>
      %dma_start3A_42 = arith.constant 0 : i32
      %dma_start3A_43 = arith.constant 0 : i32
      %dma_start3A_44 = tpu.memref_slice %arg4[%add3A_8, %dma_start3A_42, %dma_start3A_43] : memref<64x40x125xi32, #tpu.memory_space<hbm>> -> memref<1x40x125xi32, #tpu.memory_space<hbm>>
      %dma_start3A_45 = tpu.memref_squeeze %dma_start3A_44 : memref<1x40x125xi32, #tpu.memory_space<hbm>> -> memref<40x125xi32, #tpu.memory_space<hbm>>
      %dma_start3A_46 = arith.constant 0 : i32
      %dma_start3A_47 = arith.constant 0 : i32
      %dma_start3A_48 = tpu.memref_slice %arg4[%add3A_8, %dma_start3A_46, %dma_start3A_47] : memref<64x40x125xi32, #tpu.memory_space<hbm>> -> memref<1x40x125xi32, #tpu.memory_space<hbm>>
      %dma_start3A_49 = tpu.memref_squeeze %dma_start3A_48 : memref<1x40x125xi32, #tpu.memory_space<hbm>> -> memref<40x125xi32, #tpu.memory_space<hbm>>
      tpu.enqueue_dma source(%dma_start3A_49 : memref<40x125xi32, #tpu.memory_space<hbm>>) target(%arg8 : memref<40x125xi32, #tpu.memory_space<vmem>>) target_semaphore(%run_scoped3A : memref<!tpu.dma_semaphore, #tpu.memory_space<semaphore_mem>>)
      %dma_wait3A = arith.constant 0 : i32
      %dma_wait3A_50 = arith.constant 0 : i32
      %dma_wait3A_51 = tpu.memref_slice %arg4[%add3A_8, %dma_wait3A, %dma_wait3A_50] : memref<64x40x125xi32, #tpu.memory_space<hbm>> -> memref<1x40x125xi32, #tpu.memory_space<hbm>>
      %dma_wait3A_52 = tpu.memref_squeeze %dma_wait3A_51 : memref<1x40x125xi32, #tpu.memory_space<hbm>> -> memref<40x125xi32, #tpu.memory_space<hbm>>
      %dma_wait3A_53 = arith.constant 0 : i32
      %dma_wait3A_54 = arith.constant 0 : i32
      %dma_wait3A_55 = tpu.memref_slice %arg4[%add3A_8, %dma_wait3A_53, %dma_wait3A_54] : memref<64x40x125xi32, #tpu.memory_space<hbm>> -> memref<1x40x125xi32, #tpu.memory_space<hbm>>
      %dma_wait3A_56 = tpu.memref_squeeze %dma_wait3A_55 : memref<1x40x125xi32, #tpu.memory_space<hbm>> -> memref<40x125xi32, #tpu.memory_space<hbm>>
      tpu.wait_dma2 semaphore(%run_scoped3A : memref<!tpu.dma_semaphore, #tpu.memory_space<semaphore_mem>>) src(%dma_wait3A_56 : memref<40x125xi32, #tpu.memory_space<hbm>>) dst(%arg8 : memref<40x125xi32, #tpu.memory_space<vmem>>)
      tpu.yield
    }) : () -> ()
    %dma_start3A = arith.constant 0 : i32
    %dma_start3A_9 = arith.constant 0 : i32
    %dma_start3A_10 = tpu.memref_slice %arg7[%dma_start3A, %dma_start3A_9] : memref<40x125xi32, #tpu.memory_space<vmem>> -> memref<1x125xi32, #tpu.memory_space<vmem>>
    %dma_start3A_11 = tpu.memref_squeeze %dma_start3A_10 : memref<1x125xi32, #tpu.memory_space<vmem>> -> memref<125xi32, #tpu.memory_space<vmem>>
    %dma_start3A_12 = arith.constant 0 : i32
    %dma_start3A_13 = arith.constant 0 : i32
    %dma_start3A_14 = tpu.memref_slice %arg2[%dma_start3A_12, %dma_start3A_13] : memref<10000x128xf32, #tpu.memory_space<hbm>> -> memref<10000x128xf32, #tpu.memory_space<hbm>>
    tpu.enqueue_indirect_dma source(%dma_start3A_14 : memref<10000x128xf32, #tpu.memory_space<hbm>>) target(%arg9 : memref<125x128xf32, #tpu.memory_space<vmem>>) offsets(%dma_start3A_11 : memref<125xi32, #tpu.memory_space<vmem>>) semaphore(%arg11 : memref<!tpu.dma_semaphore, #tpu.memory_space<semaphore_mem>>)
    %scan3A = arith.constant 0 : i32
    %scan3A_15 = arith.constant 0 : i32
    %scan3A_16 = arith.constant 20 : i32
    %scan3A_17 = arith.addi %scan3A_15, %scan3A_16 : i32
    %scan3A_18 = arith.constant 1 : i32
    scf.for %scan3A_42 = %scan3A_15 to %scan3A_17 step %scan3A_18  : i32 {
      %mul3A_43 = arith.constant 2 : i32
      %mul3A_44 = arith.muli %mul3A_43, %scan3A_42 : i32
      %dma_wait3A = arith.constant 0 : i32
      %dma_wait3A_45 = tpu.memref_slice %arg7[%mul3A_44, %dma_wait3A] : memref<40x125xi32, #tpu.memory_space<vmem>> -> memref<1x125xi32, #tpu.memory_space<vmem>>
      %dma_wait3A_46 = tpu.memref_squeeze %dma_wait3A_45 : memref<1x125xi32, #tpu.memory_space<vmem>> -> memref<125xi32, #tpu.memory_space<vmem>>
      %dma_wait3A_47 = arith.constant 0 : i32
      %dma_wait3A_48 = arith.constant 0 : i32
      %dma_wait3A_49 = tpu.memref_slice %arg2[%dma_wait3A_47, %dma_wait3A_48] : memref<10000x128xf32, #tpu.memory_space<hbm>> -> memref<10000x128xf32, #tpu.memory_space<hbm>>
      tpu.wait_indirect_dma semaphore(%arg11 : memref<!tpu.dma_semaphore, #tpu.memory_space<semaphore_mem>>) src(%dma_wait3A_49 : memref<10000x128xf32, #tpu.memory_space<hbm>>) dst(%arg9 : memref<125x128xf32, #tpu.memory_space<vmem>>)
      %add3A_50 = arith.constant 1 : i32
      %add3A_51 = arith.addi %mul3A_44, %add3A_50 : i32
      %dma_start3A_52 = arith.constant 0 : i32
      %dma_start3A_53 = tpu.memref_slice %arg7[%add3A_51, %dma_start3A_52] : memref<40x125xi32, #tpu.memory_space<vmem>> -> memref<1x125xi32, #tpu.memory_space<vmem>>
      %dma_start3A_54 = tpu.memref_squeeze %dma_start3A_53 : memref<1x125xi32, #tpu.memory_space<vmem>> -> memref<125xi32, #tpu.memory_space<vmem>>
      %dma_start3A_55 = arith.constant 0 : i32
      %dma_start3A_56 = arith.constant 0 : i32
      %dma_start3A_57 = tpu.memref_slice %arg2[%dma_start3A_55, %dma_start3A_56] : memref<10000x128xf32, #tpu.memory_space<hbm>> -> memref<10000x128xf32, #tpu.memory_space<hbm>>
      tpu.enqueue_indirect_dma source(%dma_start3A_57 : memref<10000x128xf32, #tpu.memory_space<hbm>>) target(%arg10 : memref<125x128xf32, #tpu.memory_space<vmem>>) offsets(%dma_start3A_54 : memref<125xi32, #tpu.memory_space<vmem>>) semaphore(%arg12 : memref<!tpu.dma_semaphore, #tpu.memory_space<semaphore_mem>>)
      "tpu.region"() ({
        %run_scoped3A = tpu.sem_alloc : memref<!tpu.dma_semaphore, #tpu.memory_space<semaphore_mem>>
        %dma_start3A_72 = arith.constant 0 : i32
        %dma_start3A_73 = tpu.memref_slice %arg8[%mul3A_44, %dma_start3A_72] : memref<40x125xi32, #tpu.memory_space<vmem>> -> memref<1x125xi32, #tpu.memory_space<vmem>>
        %dma_start3A_74 = tpu.memref_squeeze %dma_start3A_73 : memref<1x125xi32, #tpu.memory_space<vmem>> -> memref<125xi32, #tpu.memory_space<vmem>>
        %dma_start3A_75 = arith.constant 0 : i32
        %dma_start3A_76 = arith.constant 0 : i32
        %dma_start3A_77 = tpu.memref_slice %arg13[%dma_start3A_75, %dma_start3A_76] : memref<10240x128xf32, #tpu.memory_space<vmem_shared>> -> memref<10240x128xf32, #tpu.memory_space<vmem_shared>>
        tpu.enqueue_indirect_dma source(%arg9 : memref<125x128xf32, #tpu.memory_space<vmem>>) target(%dma_start3A_77 : memref<10240x128xf32, #tpu.memory_space<vmem_shared>>) offsets(%dma_start3A_74 : memref<125xi32, #tpu.memory_space<vmem>>) semaphore(%run_scoped3A : memref<!tpu.dma_semaphore, #tpu.memory_space<semaphore_mem>>) {add = true}
        %dma_wait3A_78 = arith.constant 0 : i32
        %dma_wait3A_79 = tpu.memref_slice %arg8[%mul3A_44, %dma_wait3A_78] : memref<40x125xi32, #tpu.memory_space<vmem>> -> memref<1x125xi32, #tpu.memory_space<vmem>>
        %dma_wait3A_80 = tpu.memref_squeeze %dma_wait3A_79 : memref<1x125xi32, #tpu.memory_space<vmem>> -> memref<125xi32, #tpu.memory_space<vmem>>
        %dma_wait3A_81 = arith.constant 0 : i32
        %dma_wait3A_82 = arith.constant 0 : i32
        %dma_wait3A_83 = tpu.memref_slice %arg13[%dma_wait3A_81, %dma_wait3A_82] : memref<10240x128xf32, #tpu.memory_space<vmem_shared>> -> memref<10240x128xf32, #tpu.memory_space<vmem_shared>>
        tpu.wait_indirect_dma semaphore(%run_scoped3A : memref<!tpu.dma_semaphore, #tpu.memory_space<semaphore_mem>>) src(%arg9 : memref<125x128xf32, #tpu.memory_space<vmem>>) dst(%dma_wait3A_83 : memref<10240x128xf32, #tpu.memory_space<vmem_shared>>)
        tpu.yield
      }) : () -> ()
      %add3A_58 = arith.constant 1 : i32
      %add3A_59 = arith.addi %mul3A_44, %add3A_58 : i32
      %dma_wait3A_60 = arith.constant 0 : i32
      %dma_wait3A_61 = tpu.memref_slice %arg7[%add3A_59, %dma_wait3A_60] : memref<40x125xi32, #tpu.memory_space<vmem>> -> memref<1x125xi32, #tpu.memory_space<vmem>>
      %dma_wait3A_62 = tpu.memref_squeeze %dma_wait3A_61 : memref<1x125xi32, #tpu.memory_space<vmem>> -> memref<125xi32, #tpu.memory_space<vmem>>
      %dma_wait3A_63 = arith.constant 0 : i32
      %dma_wait3A_64 = arith.constant 0 : i32
      %dma_wait3A_65 = tpu.memref_slice %arg2[%dma_wait3A_63, %dma_wait3A_64] : memref<10000x128xf32, #tpu.memory_space<hbm>> -> memref<10000x128xf32, #tpu.memory_space<hbm>>
      tpu.wait_indirect_dma semaphore(%arg12 : memref<!tpu.dma_semaphore, #tpu.memory_space<semaphore_mem>>) src(%dma_wait3A_65 : memref<10000x128xf32, #tpu.memory_space<hbm>>) dst(%arg10 : memref<125x128xf32, #tpu.memory_space<vmem>>)
      %add3A_66 = arith.constant 2 : i32
      %add3A_67 = arith.addi %mul3A_44, %add3A_66 : i32
      %lt3A = arith.constant 40 : i32
      %lt3A_68 = arith.cmpi slt, %add3A_67, %lt3A : i32
      %convert_element_type3A = arith.extui %lt3A_68 : i1 to i32
      %cond3A = arith.constant 0 : i32
      %cond3A_69 = arith.cmpi ne, %convert_element_type3A, %cond3A : i32
      scf.if %cond3A_69 {
        %add3A_72 = arith.constant 2 : i32
        %add3A_73 = arith.addi %mul3A_44, %add3A_72 : i32
        %dma_start3A_74 = arith.constant 0 : i32
        %dma_start3A_75 = tpu.memref_slice %arg7[%add3A_73, %dma_start3A_74] : memref<40x125xi32, #tpu.memory_space<vmem>> -> memref<1x125xi32, #tpu.memory_space<vmem>>
        %dma_start3A_76 = tpu.memref_squeeze %dma_start3A_75 : memref<1x125xi32, #tpu.memory_space<vmem>> -> memref<125xi32, #tpu.memory_space<vmem>>
        %dma_start3A_77 = arith.constant 0 : i32
        %dma_start3A_78 = arith.constant 0 : i32
        %dma_start3A_79 = tpu.memref_slice %arg2[%dma_start3A_77, %dma_start3A_78] : memref<10000x128xf32, #tpu.memory_space<hbm>> -> memref<10000x128xf32, #tpu.memory_space<hbm>>
        tpu.enqueue_indirect_dma source(%dma_start3A_79 : memref<10000x128xf32, #tpu.memory_space<hbm>>) target(%arg9 : memref<125x128xf32, #tpu.memory_space<vmem>>) offsets(%dma_start3A_76 : memref<125xi32, #tpu.memory_space<vmem>>) semaphore(%arg11 : memref<!tpu.dma_semaphore, #tpu.memory_space<semaphore_mem>>)
      } else {
      }
      %add3A_70 = arith.constant 1 : i32
      %add3A_71 = arith.addi %mul3A_44, %add3A_70 : i32
      "tpu.region"() ({
        %run_scoped3A = tpu.sem_alloc : memref<!tpu.dma_semaphore, #tpu.memory_space<semaphore_mem>>
        %dma_start3A_72 = arith.constant 0 : i32
        %dma_start3A_73 = tpu.memref_slice %arg8[%add3A_71, %dma_start3A_72] : memref<40x125xi32, #tpu.memory_space<vmem>> -> memref<1x125xi32, #tpu.memory_space<vmem>>
        %dma_start3A_74 = tpu.memref_squeeze %dma_start3A_73 : memref<1x125xi32, #tpu.memory_space<vmem>> -> memref<125xi32, #tpu.memory_space<vmem>>
        %dma_start3A_75 = arith.constant 0 : i32
        %dma_start3A_76 = arith.constant 0 : i32
        %dma_start3A_77 = tpu.memref_slice %arg13[%dma_start3A_75, %dma_start3A_76] : memref<10240x128xf32, #tpu.memory_space<vmem_shared>> -> memref<10240x128xf32, #tpu.memory_space<vmem_shared>>
        tpu.enqueue_indirect_dma source(%arg10 : memref<125x128xf32, #tpu.memory_space<vmem>>) target(%dma_start3A_77 : memref<10240x128xf32, #tpu.memory_space<vmem_shared>>) offsets(%dma_start3A_74 : memref<125xi32, #tpu.memory_space<vmem>>) semaphore(%run_scoped3A : memref<!tpu.dma_semaphore, #tpu.memory_space<semaphore_mem>>) {add = true}
        %dma_wait3A_78 = arith.constant 0 : i32
        %dma_wait3A_79 = tpu.memref_slice %arg8[%add3A_71, %dma_wait3A_78] : memref<40x125xi32, #tpu.memory_space<vmem>> -> memref<1x125xi32, #tpu.memory_space<vmem>>
        %dma_wait3A_80 = tpu.memref_squeeze %dma_wait3A_79 : memref<1x125xi32, #tpu.memory_space<vmem>> -> memref<125xi32, #tpu.memory_space<vmem>>
        %dma_wait3A_81 = arith.constant 0 : i32
        %dma_wait3A_82 = arith.constant 0 : i32
        %dma_wait3A_83 = tpu.memref_slice %arg13[%dma_wait3A_81, %dma_wait3A_82] : memref<10240x128xf32, #tpu.memory_space<vmem_shared>> -> memref<10240x128xf32, #tpu.memory_space<vmem_shared>>
        tpu.wait_indirect_dma semaphore(%run_scoped3A : memref<!tpu.dma_semaphore, #tpu.memory_space<semaphore_mem>>) src(%arg10 : memref<125x128xf32, #tpu.memory_space<vmem>>) dst(%dma_wait3A_83 : memref<10240x128xf32, #tpu.memory_space<vmem_shared>>)
        tpu.yield
      }) : () -> ()
    }
    %scan3A_19 = arith.constant 20 : i32
    %mul3A_20 = arith.constant 2 : i32
    %mul3A_21 = arith.muli %add3A, %mul3A_20 : i32
    %add3A_22 = arith.constant 1 : i32
    %add3A_23 = arith.addi %mul3A_21, %add3A_22 : i32
    "tpu.region"() ({
      %run_scoped3A = tpu.sem_alloc : memref<!tpu.dma_semaphore, #tpu.memory_space<semaphore_mem>>
      %dma_start3A_42 = arith.constant 0 : i32
      %dma_start3A_43 = arith.constant 0 : i32
      %dma_start3A_44 = tpu.memref_slice %arg3[%add3A_23, %dma_start3A_42, %dma_start3A_43] : memref<64x40x125xi32, #tpu.memory_space<hbm>> -> memref<1x40x125xi32, #tpu.memory_space<hbm>>
      %dma_start3A_45 = tpu.memref_squeeze %dma_start3A_44 : memref<1x40x125xi32, #tpu.memory_space<hbm>> -> memref<40x125xi32, #tpu.memory_space<hbm>>
      %dma_start3A_46 = arith.constant 0 : i32
      %dma_start3A_47 = arith.constant 0 : i32
      %dma_start3A_48 = tpu.memref_slice %arg3[%add3A_23, %dma_start3A_46, %dma_start3A_47] : memref<64x40x125xi32, #tpu.memory_space<hbm>> -> memref<1x40x125xi32, #tpu.memory_space<hbm>>
      %dma_start3A_49 = tpu.memref_squeeze %dma_start3A_48 : memref<1x40x125xi32, #tpu.memory_space<hbm>> -> memref<40x125xi32, #tpu.memory_space<hbm>>
      tpu.enqueue_dma source(%dma_start3A_49 : memref<40x125xi32, #tpu.memory_space<hbm>>) target(%arg7 : memref<40x125xi32, #tpu.memory_space<vmem>>) target_semaphore(%run_scoped3A : memref<!tpu.dma_semaphore, #tpu.memory_space<semaphore_mem>>)
      %dma_wait3A = arith.constant 0 : i32
      %dma_wait3A_50 = arith.constant 0 : i32
      %dma_wait3A_51 = tpu.memref_slice %arg3[%add3A_23, %dma_wait3A, %dma_wait3A_50] : memref<64x40x125xi32, #tpu.memory_space<hbm>> -> memref<1x40x125xi32, #tpu.memory_space<hbm>>
      %dma_wait3A_52 = tpu.memref_squeeze %dma_wait3A_51 : memref<1x40x125xi32, #tpu.memory_space<hbm>> -> memref<40x125xi32, #tpu.memory_space<hbm>>
      %dma_wait3A_53 = arith.constant 0 : i32
      %dma_wait3A_54 = arith.constant 0 : i32
      %dma_wait3A_55 = tpu.memref_slice %arg3[%add3A_23, %dma_wait3A_53, %dma_wait3A_54] : memref<64x40x125xi32, #tpu.memory_space<hbm>> -> memref<1x40x125xi32, #tpu.memory_space<hbm>>
      %dma_wait3A_56 = tpu.memref_squeeze %dma_wait3A_55 : memref<1x40x125xi32, #tpu.memory_space<hbm>> -> memref<40x125xi32, #tpu.memory_space<hbm>>
      tpu.wait_dma2 semaphore(%run_scoped3A : memref<!tpu.dma_semaphore, #tpu.memory_space<semaphore_mem>>) src(%dma_wait3A_56 : memref<40x125xi32, #tpu.memory_space<hbm>>) dst(%arg7 : memref<40x125xi32, #tpu.memory_space<vmem>>)
      tpu.yield
    }) : () -> ()
    "tpu.region"() ({
      %run_scoped3A = tpu.sem_alloc : memref<!tpu.dma_semaphore, #tpu.memory_space<semaphore_mem>>
      %dma_start3A_42 = arith.constant 0 : i32
      %dma_start3A_43 = arith.constant 0 : i32
      %dma_start3A_44 = tpu.memref_slice %arg4[%add3A_23, %dma_start3A_42, %dma_start3A_43] : memref<64x40x125xi32, #tpu.memory_space<hbm>> -> memref<1x40x125xi32, #tpu.memory_space<hbm>>
      %dma_start3A_45 = tpu.memref_squeeze %dma_start3A_44 : memref<1x40x125xi32, #tpu.memory_space<hbm>> -> memref<40x125xi32, #tpu.memory_space<hbm>>
      %dma_start3A_46 = arith.constant 0 : i32
      %dma_start3A_47 = arith.constant 0 : i32
      %dma_start3A_48 = tpu.memref_slice %arg4[%add3A_23, %dma_start3A_46, %dma_start3A_47] : memref<64x40x125xi32, #tpu.memory_space<hbm>> -> memref<1x40x125xi32, #tpu.memory_space<hbm>>
      %dma_start3A_49 = tpu.memref_squeeze %dma_start3A_48 : memref<1x40x125xi32, #tpu.memory_space<hbm>> -> memref<40x125xi32, #tpu.memory_space<hbm>>
      tpu.enqueue_dma source(%dma_start3A_49 : memref<40x125xi32, #tpu.memory_space<hbm>>) target(%arg8 : memref<40x125xi32, #tpu.memory_space<vmem>>) target_semaphore(%run_scoped3A : memref<!tpu.dma_semaphore, #tpu.memory_space<semaphore_mem>>)
      %dma_wait3A = arith.constant 0 : i32
      %dma_wait3A_50 = arith.constant 0 : i32
      %dma_wait3A_51 = tpu.memref_slice %arg4[%add3A_23, %dma_wait3A, %dma_wait3A_50] : memref<64x40x125xi32, #tpu.memory_space<hbm>> -> memref<1x40x125xi32, #tpu.memory_space<hbm>>
      %dma_wait3A_52 = tpu.memref_squeeze %dma_wait3A_51 : memref<1x40x125xi32, #tpu.memory_space<hbm>> -> memref<40x125xi32, #tpu.memory_space<hbm>>
      %dma_wait3A_53 = arith.constant 0 : i32
      %dma_wait3A_54 = arith.constant 0 : i32
      %dma_wait3A_55 = tpu.memref_slice %arg4[%add3A_23, %dma_wait3A_53, %dma_wait3A_54] : memref<64x40x125xi32, #tpu.memory_space<hbm>> -> memref<1x40x125xi32, #tpu.memory_space<hbm>>
      %dma_wait3A_56 = tpu.memref_squeeze %dma_wait3A_55 : memref<1x40x125xi32, #tpu.memory_space<hbm>> -> memref<40x125xi32, #tpu.memory_space<hbm>>
      tpu.wait_dma2 semaphore(%run_scoped3A : memref<!tpu.dma_semaphore, #tpu.memory_space<semaphore_mem>>) src(%dma_wait3A_56 : memref<40x125xi32, #tpu.memory_space<hbm>>) dst(%arg8 : memref<40x125xi32, #tpu.memory_space<vmem>>)
      tpu.yield
    }) : () -> ()
    %dma_start3A_24 = arith.constant 0 : i32
    %dma_start3A_25 = arith.constant 0 : i32
    %dma_start3A_26 = tpu.memref_slice %arg7[%dma_start3A_24, %dma_start3A_25] : memref<40x125xi32, #tpu.memory_space<vmem>> -> memref<1x125xi32, #tpu.memory_space<vmem>>
    %dma_start3A_27 = tpu.memref_squeeze %dma_start3A_26 : memref<1x125xi32, #tpu.memory_space<vmem>> -> memref<125xi32, #tpu.memory_space<vmem>>
    %dma_start3A_28 = arith.constant 0 : i32
    %dma_start3A_29 = arith.constant 0 : i32
    %dma_start3A_30 = tpu.memref_slice %arg2[%dma_start3A_28, %dma_start3A_29] : memref<10000x128xf32, #tpu.memory_space<hbm>> -> memref<10000x128xf32, #tpu.memory_space<hbm>>
    tpu.enqueue_indirect_dma source(%dma_start3A_30 : memref<10000x128xf32, #tpu.memory_space<hbm>>) target(%arg9 : memref<125x128xf32, #tpu.memory_space<vmem>>) offsets(%dma_start3A_27 : memref<125xi32, #tpu.memory_space<vmem>>) semaphore(%arg11 : memref<!tpu.dma_semaphore, #tpu.memory_space<semaphore_mem>>)
    %scan3A_31 = arith.constant 0 : i32
    %scan3A_32 = arith.constant 0 : i32
    %scan3A_33 = arith.constant 20 : i32
    %scan3A_34 = arith.addi %scan3A_32, %scan3A_33 : i32
    %scan3A_35 = arith.constant 1 : i32
    scf.for %scan3A_42 = %scan3A_32 to %scan3A_34 step %scan3A_35  : i32 {
      %mul3A_43 = arith.constant 2 : i32
      %mul3A_44 = arith.muli %mul3A_43, %scan3A_42 : i32
      %dma_wait3A = arith.constant 0 : i32
      %dma_wait3A_45 = tpu.memref_slice %arg7[%mul3A_44, %dma_wait3A] : memref<40x125xi32, #tpu.memory_space<vmem>> -> memref<1x125xi32, #tpu.memory_space<vmem>>
      %dma_wait3A_46 = tpu.memref_squeeze %dma_wait3A_45 : memref<1x125xi32, #tpu.memory_space<vmem>> -> memref<125xi32, #tpu.memory_space<vmem>>
      %dma_wait3A_47 = arith.constant 0 : i32
      %dma_wait3A_48 = arith.constant 0 : i32
      %dma_wait3A_49 = tpu.memref_slice %arg2[%dma_wait3A_47, %dma_wait3A_48] : memref<10000x128xf32, #tpu.memory_space<hbm>> -> memref<10000x128xf32, #tpu.memory_space<hbm>>
      tpu.wait_indirect_dma semaphore(%arg11 : memref<!tpu.dma_semaphore, #tpu.memory_space<semaphore_mem>>) src(%dma_wait3A_49 : memref<10000x128xf32, #tpu.memory_space<hbm>>) dst(%arg9 : memref<125x128xf32, #tpu.memory_space<vmem>>)
      %add3A_50 = arith.constant 1 : i32
      %add3A_51 = arith.addi %mul3A_44, %add3A_50 : i32
      %dma_start3A_52 = arith.constant 0 : i32
      %dma_start3A_53 = tpu.memref_slice %arg7[%add3A_51, %dma_start3A_52] : memref<40x125xi32, #tpu.memory_space<vmem>> -> memref<1x125xi32, #tpu.memory_space<vmem>>
      %dma_start3A_54 = tpu.memref_squeeze %dma_start3A_53 : memref<1x125xi32, #tpu.memory_space<vmem>> -> memref<125xi32, #tpu.memory_space<vmem>>
      %dma_start3A_55 = arith.constant 0 : i32
      %dma_start3A_56 = arith.constant 0 : i32
      %dma_start3A_57 = tpu.memref_slice %arg2[%dma_start3A_55, %dma_start3A_56] : memref<10000x128xf32, #tpu.memory_space<hbm>> -> memref<10000x128xf32, #tpu.memory_space<hbm>>
      tpu.enqueue_indirect_dma source(%dma_start3A_57 : memref<10000x128xf32, #tpu.memory_space<hbm>>) target(%arg10 : memref<125x128xf32, #tpu.memory_space<vmem>>) offsets(%dma_start3A_54 : memref<125xi32, #tpu.memory_space<vmem>>) semaphore(%arg12 : memref<!tpu.dma_semaphore, #tpu.memory_space<semaphore_mem>>)
      "tpu.region"() ({
        %run_scoped3A = tpu.sem_alloc : memref<!tpu.dma_semaphore, #tpu.memory_space<semaphore_mem>>
        %dma_start3A_72 = arith.constant 0 : i32
        %dma_start3A_73 = tpu.memref_slice %arg8[%mul3A_44, %dma_start3A_72] : memref<40x125xi32, #tpu.memory_space<vmem>> -> memref<1x125xi32, #tpu.memory_space<vmem>>
        %dma_start3A_74 = tpu.memref_squeeze %dma_start3A_73 : memref<1x125xi32, #tpu.memory_space<vmem>> -> memref<125xi32, #tpu.memory_space<vmem>>
        %dma_start3A_75 = arith.constant 0 : i32
        %dma_start3A_76 = arith.constant 0 : i32
        %dma_start3A_77 = tpu.memref_slice %arg13[%dma_start3A_75, %dma_start3A_76] : memref<10240x128xf32, #tpu.memory_space<vmem_shared>> -> memref<10240x128xf32, #tpu.memory_space<vmem_shared>>
        tpu.enqueue_indirect_dma source(%arg9 : memref<125x128xf32, #tpu.memory_space<vmem>>) target(%dma_start3A_77 : memref<10240x128xf32, #tpu.memory_space<vmem_shared>>) offsets(%dma_start3A_74 : memref<125xi32, #tpu.memory_space<vmem>>) semaphore(%run_scoped3A : memref<!tpu.dma_semaphore, #tpu.memory_space<semaphore_mem>>) {add = true}
        %dma_wait3A_78 = arith.constant 0 : i32
        %dma_wait3A_79 = tpu.memref_slice %arg8[%mul3A_44, %dma_wait3A_78] : memref<40x125xi32, #tpu.memory_space<vmem>> -> memref<1x125xi32, #tpu.memory_space<vmem>>
        %dma_wait3A_80 = tpu.memref_squeeze %dma_wait3A_79 : memref<1x125xi32, #tpu.memory_space<vmem>> -> memref<125xi32, #tpu.memory_space<vmem>>
        %dma_wait3A_81 = arith.constant 0 : i32
        %dma_wait3A_82 = arith.constant 0 : i32
        %dma_wait3A_83 = tpu.memref_slice %arg13[%dma_wait3A_81, %dma_wait3A_82] : memref<10240x128xf32, #tpu.memory_space<vmem_shared>> -> memref<10240x128xf32, #tpu.memory_space<vmem_shared>>
        tpu.wait_indirect_dma semaphore(%run_scoped3A : memref<!tpu.dma_semaphore, #tpu.memory_space<semaphore_mem>>) src(%arg9 : memref<125x128xf32, #tpu.memory_space<vmem>>) dst(%dma_wait3A_83 : memref<10240x128xf32, #tpu.memory_space<vmem_shared>>)
        tpu.yield
      }) : () -> ()
      %add3A_58 = arith.constant 1 : i32
      %add3A_59 = arith.addi %mul3A_44, %add3A_58 : i32
      %dma_wait3A_60 = arith.constant 0 : i32
      %dma_wait3A_61 = tpu.memref_slice %arg7[%add3A_59, %dma_wait3A_60] : memref<40x125xi32, #tpu.memory_space<vmem>> -> memref<1x125xi32, #tpu.memory_space<vmem>>
      %dma_wait3A_62 = tpu.memref_squeeze %dma_wait3A_61 : memref<1x125xi32, #tpu.memory_space<vmem>> -> memref<125xi32, #tpu.memory_space<vmem>>
      %dma_wait3A_63 = arith.constant 0 : i32
      %dma_wait3A_64 = arith.constant 0 : i32
      %dma_wait3A_65 = tpu.memref_slice %arg2[%dma_wait3A_63, %dma_wait3A_64] : memref<10000x128xf32, #tpu.memory_space<hbm>> -> memref<10000x128xf32, #tpu.memory_space<hbm>>
      tpu.wait_indirect_dma semaphore(%arg12 : memref<!tpu.dma_semaphore, #tpu.memory_space<semaphore_mem>>) src(%dma_wait3A_65 : memref<10000x128xf32, #tpu.memory_space<hbm>>) dst(%arg10 : memref<125x128xf32, #tpu.memory_space<vmem>>)
      %add3A_66 = arith.constant 2 : i32
      %add3A_67 = arith.addi %mul3A_44, %add3A_66 : i32
      %lt3A = arith.constant 40 : i32
      %lt3A_68 = arith.cmpi slt, %add3A_67, %lt3A : i32
      %convert_element_type3A = arith.extui %lt3A_68 : i1 to i32
      %cond3A = arith.constant 0 : i32
      %cond3A_69 = arith.cmpi ne, %convert_element_type3A, %cond3A : i32
      scf.if %cond3A_69 {
        %add3A_72 = arith.constant 2 : i32
        %add3A_73 = arith.addi %mul3A_44, %add3A_72 : i32
        %dma_start3A_74 = arith.constant 0 : i32
        %dma_start3A_75 = tpu.memref_slice %arg7[%add3A_73, %dma_start3A_74] : memref<40x125xi32, #tpu.memory_space<vmem>> -> memref<1x125xi32, #tpu.memory_space<vmem>>
        %dma_start3A_76 = tpu.memref_squeeze %dma_start3A_75 : memref<1x125xi32, #tpu.memory_space<vmem>> -> memref<125xi32, #tpu.memory_space<vmem>>
        %dma_start3A_77 = arith.constant 0 : i32
        %dma_start3A_78 = arith.constant 0 : i32
        %dma_start3A_79 = tpu.memref_slice %arg2[%dma_start3A_77, %dma_start3A_78] : memref<10000x128xf32, #tpu.memory_space<hbm>> -> memref<10000x128xf32, #tpu.memory_space<hbm>>
        tpu.enqueue_indirect_dma source(%dma_start3A_79 : memref<10000x128xf32, #tpu.memory_space<hbm>>) target(%arg9 : memref<125x128xf32, #tpu.memory_space<vmem>>) offsets(%dma_start3A_76 : memref<125xi32, #tpu.memory_space<vmem>>) semaphore(%arg11 : memref<!tpu.dma_semaphore, #tpu.memory_space<semaphore_mem>>)
      } else {
      }
      %add3A_70 = arith.constant 1 : i32
      %add3A_71 = arith.addi %mul3A_44, %add3A_70 : i32
      "tpu.region"() ({
        %run_scoped3A = tpu.sem_alloc : memref<!tpu.dma_semaphore, #tpu.memory_space<semaphore_mem>>
        %dma_start3A_72 = arith.constant 0 : i32
        %dma_start3A_73 = tpu.memref_slice %arg8[%add3A_71, %dma_start3A_72] : memref<40x125xi32, #tpu.memory_space<vmem>> -> memref<1x125xi32, #tpu.memory_space<vmem>>
        %dma_start3A_74 = tpu.memref_squeeze %dma_start3A_73 : memref<1x125xi32, #tpu.memory_space<vmem>> -> memref<125xi32, #tpu.memory_space<vmem>>
        %dma_start3A_75 = arith.constant 0 : i32
        %dma_start3A_76 = arith.constant 0 : i32
        %dma_start3A_77 = tpu.memref_slice %arg13[%dma_start3A_75, %dma_start3A_76] : memref<10240x128xf32, #tpu.memory_space<vmem_shared>> -> memref<10240x128xf32, #tpu.memory_space<vmem_shared>>
        tpu.enqueue_indirect_dma source(%arg10 : memref<125x128xf32, #tpu.memory_space<vmem>>) target(%dma_start3A_77 : memref<10240x128xf32, #tpu.memory_space<vmem_shared>>) offsets(%dma_start3A_74 : memref<125xi32, #tpu.memory_space<vmem>>) semaphore(%run_scoped3A : memref<!tpu.dma_semaphore, #tpu.memory_space<semaphore_mem>>) {add = true}
        %dma_wait3A_78 = arith.constant 0 : i32
        %dma_wait3A_79 = tpu.memref_slice %arg8[%add3A_71, %dma_wait3A_78] : memref<40x125xi32, #tpu.memory_space<vmem>> -> memref<1x125xi32, #tpu.memory_space<vmem>>
        %dma_wait3A_80 = tpu.memref_squeeze %dma_wait3A_79 : memref<1x125xi32, #tpu.memory_space<vmem>> -> memref<125xi32, #tpu.memory_space<vmem>>
        %dma_wait3A_81 = arith.constant 0 : i32
        %dma_wait3A_82 = arith.constant 0 : i32
        %dma_wait3A_83 = tpu.memref_slice %arg13[%dma_wait3A_81, %dma_wait3A_82] : memref<10240x128xf32, #tpu.memory_space<vmem_shared>> -> memref<10240x128xf32, #tpu.memory_space<vmem_shared>>
        tpu.wait_indirect_dma semaphore(%run_scoped3A : memref<!tpu.dma_semaphore, #tpu.memory_space<semaphore_mem>>) src(%arg10 : memref<125x128xf32, #tpu.memory_space<vmem>>) dst(%dma_wait3A_83 : memref<10240x128xf32, #tpu.memory_space<vmem_shared>>)
        tpu.yield
      }) : () -> ()
    }
    %scan3A_36 = arith.constant 20 : i32
    %barrier3A_37 = arith.constant 0 : index
    tpu.barrier barrier_id(%barrier3A_37)
    %mul3A_38 = arith.constant 640 : i32
    %mul3A_39 = arith.muli %arg1, %mul3A_38 : i32
    %mul3A_40 = arith.constant 640 : i32
    %mul3A_41 = arith.muli %arg1, %mul3A_40 : i32
    "tpu.region"() ({
      %run_scoped3A = tpu.sem_alloc : memref<!tpu.dma_semaphore, #tpu.memory_space<semaphore_mem>>
      %dma_start3A_42 = arith.constant 0 : i32
      %dma_start3A_43 = tpu.memref_slice %arg6[%arg0, %mul3A_41, %dma_start3A_42] : memref<2x10240x128xf32, #tpu.memory_space<hbm>> -> memref<1x640x128xf32, #tpu.memory_space<hbm>>
      %dma_start3A_44 = tpu.memref_squeeze %dma_start3A_43 : memref<1x640x128xf32, #tpu.memory_space<hbm>> -> memref<640x128xf32, #tpu.memory_space<hbm>>
      %dma_start3A_45 = arith.constant 0 : i32
      %dma_start3A_46 = tpu.memref_slice %arg13[%mul3A_39, %dma_start3A_45] : memref<10240x128xf32, #tpu.memory_space<vmem_shared>> -> memref<640x128xf32, #tpu.memory_space<vmem_shared>>
      tpu.enqueue_dma source(%dma_start3A_46 : memref<640x128xf32, #tpu.memory_space<vmem_shared>>) target(%dma_start3A_44 : memref<640x128xf32, #tpu.memory_space<hbm>>) target_semaphore(%run_scoped3A : memref<!tpu.dma_semaphore, #tpu.memory_space<semaphore_mem>>)
      %dma_wait3A = arith.constant 0 : i32
      %dma_wait3A_47 = tpu.memref_slice %arg6[%arg0, %mul3A_41, %dma_wait3A] : memref<2x10240x128xf32, #tpu.memory_space<hbm>> -> memref<1x640x128xf32, #tpu.memory_space<hbm>>
      %dma_wait3A_48 = tpu.memref_squeeze %dma_wait3A_47 : memref<1x640x128xf32, #tpu.memory_space<hbm>> -> memref<640x128xf32, #tpu.memory_space<hbm>>
      %dma_wait3A_49 = arith.constant 0 : i32
      %dma_wait3A_50 = tpu.memref_slice %arg13[%mul3A_39, %dma_wait3A_49] : memref<10240x128xf32, #tpu.memory_space<vmem_shared>> -> memref<640x128xf32, #tpu.memory_space<vmem_shared>>
      tpu.wait_dma2 semaphore(%run_scoped3A : memref<!tpu.dma_semaphore, #tpu.memory_space<semaphore_mem>>) src(%dma_wait3A_50 : memref<640x128xf32, #tpu.memory_space<vmem_shared>>) dst(%dma_wait3A_48 : memref<640x128xf32, #tpu.memory_space<hbm>>)
      tpu.yield
    }) : () -> ()
    return
  }
}

#map = affine_map<(d0, d1) -> (0, 0)>
#map1 = affine_map<(d0, d1) -> (0, 0, 0)>
module attributes {stable_mosaic.version = 14 : i64} {
  func.func @k(%arg0: i32, %arg1: i32, %arg2: memref<10000x128xf32, #tpu.memory_space<hbm>>, %arg3: memref<64x40x125xi32, #tpu.memory_space<hbm>>, %arg4: memref<64x40x125xi32, #tpu.memory_space<hbm>>, %arg5: memref<10240x128xf32, #tpu.memory_space<hbm>>, %arg6: memref<2x10240x128xf32, #tpu.memory_space<hbm>>, %arg7: memref<40x125xi32, #tpu.memory_space<vmem>>, %arg8: memref<40x125xi32, #tpu.memory_space<vmem>>, %arg9: memref<125x128xf32, #tpu.memory_space<vmem>>, %arg10: memref<125x128xf32, #tpu.memory_space<vmem>>, %arg11: memref<!tpu.dma_semaphore, #tpu.memory_space<semaphore_mem>>, %arg12: memref<!tpu.dma_semaphore, #tpu.memory_space<semaphore_mem>>, %arg13: memref<10240x128xf32, #tpu.memory_space<vmem_shared>>) attributes {dimension_semantics = [#tpu.dimension_semantics<core_parallel>, #tpu.dimension_semantics<subcore_parallel>], iteration_bounds = array<i64: 2, 16>, scalar_prefetch = 0 : i64, scratch_operands = 7 : i64, tpu.core_type = #tpu.core_type<sc_vector_subcore>, window_params = [{transform_indices = #map}, {transform_indices = #map1}, {transform_indices = #map1}, {transform_indices = #map}, {transform_indices = #map1}]} {
    %mul3A = arith.constant 2 : i32
    %mul3A_0 = arith.muli %arg1, %mul3A : i32
    %add3A = arith.addi %mul3A_0, %arg0 : i32
    %mul3A_1 = arith.constant 640 : i32
    %mul3A_2 = arith.muli %arg1, %mul3A_1 : i32
    %mul3A_3 = arith.constant 640 : i32
    %mul3A_4 = arith.muli %arg1, %mul3A_3 : i32
    "tpu.region"() ({
      %run_scoped3A = tpu.sem_alloc : memref<!tpu.dma_semaphore, #tpu.memory_space<semaphore_mem>>
      %dma_start3A_42 = arith.constant 0 : i32
      %dma_start3A_43 = tpu.memref_slice %arg13[%mul3A_4, %dma_start3A_42] : memref<10240x128xf32, #tpu.memory_space<vmem_shared>> -> memref<640x128xf32, #tpu.memory_space<vmem_shared>>
      %dma_start3A_44 = arith.constant 0 : i32
      %dma_start3A_45 = tpu.memref_slice %arg5[%mul3A_2, %dma_start3A_44] : memref<10240x128xf32, #tpu.memory_space<hbm>> -> memref<640x128xf32, #tpu.memory_space<hbm>>
      tpu.enqueue_dma source(%dma_start3A_45 : memref<640x128xf32, #tpu.memory_space<hbm>>) target(%dma_start3A_43 : memref<640x128xf32, #tpu.memory_space<vmem_shared>>) target_semaphore(%run_scoped3A : memref<!tpu.dma_semaphore, #tpu.memory_space<semaphore_mem>>)
      %dma_wait3A = arith.constant 0 : i32
      %dma_wait3A_46 = tpu.memref_slice %arg13[%mul3A_4, %dma_wait3A] : memref<10240x128xf32, #tpu.memory_space<vmem_shared>> -> memref<640x128xf32, #tpu.memory_space<vmem_shared>>
      %dma_wait3A_47 = arith.constant 0 : i32
      %dma_wait3A_48 = tpu.memref_slice %arg5[%mul3A_2, %dma_wait3A_47] : memref<10240x128xf32, #tpu.memory_space<hbm>> -> memref<640x128xf32, #tpu.memory_space<hbm>>
      tpu.wait_dma2 semaphore(%run_scoped3A : memref<!tpu.dma_semaphore, #tpu.memory_space<semaphore_mem>>) src(%dma_wait3A_48 : memref<640x128xf32, #tpu.memory_space<hbm>>) dst(%dma_wait3A_46 : memref<640x128xf32, #tpu.memory_space<vmem_shared>>)
      tpu.yield
    }) : () -> ()
    %barrier3A = arith.constant 0 : index
    tpu.barrier barrier_id(%barrier3A)
    %mul3A_5 = arith.constant 2 : i32
    %mul3A_6 = arith.muli %add3A, %mul3A_5 : i32
    %add3A_7 = arith.constant 0 : i32
    %add3A_8 = arith.addi %mul3A_6, %add3A_7 : i32
    "tpu.region"() ({
      %run_scoped3A = tpu.sem_alloc : memref<!tpu.dma_semaphore, #tpu.memory_space<semaphore_mem>>
      %dma_start3A_42 = arith.constant 0 : i32
      %dma_start3A_43 = arith.constant 0 : i32
      %dma_start3A_44 = tpu.memref_slice %arg3[%add3A_8, %dma_start3A_42, %dma_start3A_43] : memref<64x40x125xi32, #tpu.memory_space<hbm>> -> memref<1x40x125xi32, #tpu.memory_space<hbm>>
      %dma_start3A_45 = tpu.memref_squeeze %dma_start3A_44 : memref<1x40x125xi32, #tpu.memory_space<hbm>> -> memref<40x125xi32, #tpu.memory_space<hbm>>
      %dma_start3A_46 = arith.constant 0 : i32
      %dma_start3A_47 = arith.constant 0 : i32
      %dma_start3A_48 = tpu.memref_slice %arg3[%add3A_8, %dma_start3A_46, %dma_start3A_47] : memref<64x40x125xi32, #tpu.memory_space<hbm>> -> memref<1x40x125xi32, #tpu.memory_space<hbm>>
      %dma_start3A_49 = tpu.memref_squeeze %dma_start3A_48 : memref<1x40x125xi32, #tpu.memory_space<hbm>> -> memref<40x125xi32, #tpu.memory_space<hbm>>
      tpu.enqueue_dma source(%dma_start3A_49 : memref<40x125xi32, #tpu.memory_space<hbm>>) target(%arg7 : memref<40x125xi32, #tpu.memory_space<vmem>>) target_semaphore(%run_scoped3A : memref<!tpu.dma_semaphore, #tpu.memory_space<semaphore_mem>>)
      %dma_wait3A = arith.constant 0 : i32
      %dma_wait3A_50 = arith.constant 0 : i32
      %dma_wait3A_51 = tpu.memref_slice %arg3[%add3A_8, %dma_wait3A, %dma_wait3A_50] : memref<64x40x125xi32, #tpu.memory_space<hbm>> -> memref<1x40x125xi32, #tpu.memory_space<hbm>>
      %dma_wait3A_52 = tpu.memref_squeeze %dma_wait3A_51 : memref<1x40x125xi32, #tpu.memory_space<hbm>> -> memref<40x125xi32, #tpu.memory_space<hbm>>
      %dma_wait3A_53 = arith.constant 0 : i32
      %dma_wait3A_54 = arith.constant 0 : i32
      %dma_wait3A_55 = tpu.memref_slice %arg3[%add3A_8, %dma_wait3A_53, %dma_wait3A_54] : memref<64x40x125xi32, #tpu.memory_space<hbm>> -> memref<1x40x125xi32, #tpu.memory_space<hbm>>
      %dma_wait3A_56 = tpu.memref_squeeze %dma_wait3A_55 : memref<1x40x125xi32, #tpu.memory_space<hbm>> -> memref<40x125xi32, #tpu.memory_space<hbm>>
      tpu.wait_dma2 semaphore(%run_scoped3A : memref<!tpu.dma_semaphore, #tpu.memory_space<semaphore_mem>>) src(%dma_wait3A_56 : memref<40x125xi32, #tpu.memory_space<hbm>>) dst(%arg7 : memref<40x125xi32, #tpu.memory_space<vmem>>)
      tpu.yield
    }) : () -> ()
    "tpu.region"() ({
      %run_scoped3A = tpu.sem_alloc : memref<!tpu.dma_semaphore, #tpu.memory_space<semaphore_mem>>
      %dma_start3A_42 = arith.constant 0 : i32
      %dma_start3A_43 = arith.constant 0 : i32
      %dma_start3A_44 = tpu.memref_slice %arg4[%add3A_8, %dma_start3A_42, %dma_start3A_43] : memref<64x40x125xi32, #tpu.memory_space<hbm>> -> memref<1x40x125xi32, #tpu.memory_space<hbm>>
      %dma_start3A_45 = tpu.memref_squeeze %dma_start3A_44 : memref<1x40x125xi32, #tpu.memory_space<hbm>> -> memref<40x125xi32, #tpu.memory_space<hbm>>
      %dma_start3A_46 = arith.constant 0 : i32
      %dma_start3A_47 = arith.constant 0 : i32
      %dma_start3A_48 = tpu.memref_slice %arg4[%add3A_8, %dma_start3A_46, %dma_start3A_47] : memref<64x40x125xi32, #tpu.memory_space<hbm>> -> memref<1x40x125xi32, #tpu.memory_space<hbm>>
      %dma_start3A_49 = tpu.memref_squeeze %dma_start3A_48 : memref<1x40x125xi32, #tpu.memory_space<hbm>> -> memref<40x125xi32, #tpu.memory_space<hbm>>
      tpu.enqueue_dma source(%dma_start3A_49 : memref<40x125xi32, #tpu.memory_space<hbm>>) target(%arg8 : memref<40x125xi32, #tpu.memory_space<vmem>>) target_semaphore(%run_scoped3A : memref<!tpu.dma_semaphore, #tpu.memory_space<semaphore_mem>>)
      %dma_wait3A = arith.constant 0 : i32
      %dma_wait3A_50 = arith.constant 0 : i32
      %dma_wait3A_51 = tpu.memref_slice %arg4[%add3A_8, %dma_wait3A, %dma_wait3A_50] : memref<64x40x125xi32, #tpu.memory_space<hbm>> -> memref<1x40x125xi32, #tpu.memory_space<hbm>>
      %dma_wait3A_52 = tpu.memref_squeeze %dma_wait3A_51 : memref<1x40x125xi32, #tpu.memory_space<hbm>> -> memref<40x125xi32, #tpu.memory_space<hbm>>
      %dma_wait3A_53 = arith.constant 0 : i32
      %dma_wait3A_54 = arith.constant 0 : i32
      %dma_wait3A_55 = tpu.memref_slice %arg4[%add3A_8, %dma_wait3A_53, %dma_wait3A_54] : memref<64x40x125xi32, #tpu.memory_space<hbm>> -> memref<1x40x125xi32, #tpu.memory_space<hbm>>
      %dma_wait3A_56 = tpu.memref_squeeze %dma_wait3A_55 : memref<1x40x125xi32, #tpu.memory_space<hbm>> -> memref<40x125xi32, #tpu.memory_space<hbm>>
      tpu.wait_dma2 semaphore(%run_scoped3A : memref<!tpu.dma_semaphore, #tpu.memory_space<semaphore_mem>>) src(%dma_wait3A_56 : memref<40x125xi32, #tpu.memory_space<hbm>>) dst(%arg8 : memref<40x125xi32, #tpu.memory_space<vmem>>)
      tpu.yield
    }) : () -> ()
    %dma_start3A = arith.constant 0 : i32
    %dma_start3A_9 = arith.constant 0 : i32
    %dma_start3A_10 = tpu.memref_slice %arg7[%dma_start3A, %dma_start3A_9] : memref<40x125xi32, #tpu.memory_space<vmem>> -> memref<1x125xi32, #tpu.memory_space<vmem>>
    %dma_start3A_11 = tpu.memref_squeeze %dma_start3A_10 : memref<1x125xi32, #tpu.memory_space<vmem>> -> memref<125xi32, #tpu.memory_space<vmem>>
    %dma_start3A_12 = arith.constant 0 : i32
    %dma_start3A_13 = arith.constant 0 : i32
    %dma_start3A_14 = tpu.memref_slice %arg2[%dma_start3A_12, %dma_start3A_13] : memref<10000x128xf32, #tpu.memory_space<hbm>> -> memref<10000x128xf32, #tpu.memory_space<hbm>>
    tpu.enqueue_indirect_dma source(%dma_start3A_14 : memref<10000x128xf32, #tpu.memory_space<hbm>>) target(%arg9 : memref<125x128xf32, #tpu.memory_space<vmem>>) offsets(%dma_start3A_11 : memref<125xi32, #tpu.memory_space<vmem>>) semaphore(%arg11 : memref<!tpu.dma_semaphore, #tpu.memory_space<semaphore_mem>>)
    %scan3A = arith.constant 0 : i32
    %scan3A_15 = arith.constant 0 : i32
    %scan3A_16 = arith.constant 20 : i32
    %scan3A_17 = arith.addi %scan3A_15, %scan3A_16 : i32
    %scan3A_18 = arith.constant 1 : i32
    scf.for %scan3A_42 = %scan3A_15 to %scan3A_17 step %scan3A_18  : i32 {
      %mul3A_43 = arith.constant 2 : i32
      %mul3A_44 = arith.muli %mul3A_43, %scan3A_42 : i32
      %dma_wait3A = arith.constant 0 : i32
      %dma_wait3A_45 = tpu.memref_slice %arg7[%mul3A_44, %dma_wait3A] : memref<40x125xi32, #tpu.memory_space<vmem>> -> memref<1x125xi32, #tpu.memory_space<vmem>>
      %dma_wait3A_46 = tpu.memref_squeeze %dma_wait3A_45 : memref<1x125xi32, #tpu.memory_space<vmem>> -> memref<125xi32, #tpu.memory_space<vmem>>
      %dma_wait3A_47 = arith.constant 0 : i32
      %dma_wait3A_48 = arith.constant 0 : i32
      %dma_wait3A_49 = tpu.memref_slice %arg2[%dma_wait3A_47, %dma_wait3A_48] : memref<10000x128xf32, #tpu.memory_space<hbm>> -> memref<10000x128xf32, #tpu.memory_space<hbm>>
      tpu.wait_indirect_dma semaphore(%arg11 : memref<!tpu.dma_semaphore, #tpu.memory_space<semaphore_mem>>) src(%dma_wait3A_49 : memref<10000x128xf32, #tpu.memory_space<hbm>>) dst(%arg9 : memref<125x128xf32, #tpu.memory_space<vmem>>)
      %add3A_50 = arith.constant 1 : i32
      %add3A_51 = arith.addi %mul3A_44, %add3A_50 : i32
      %dma_start3A_52 = arith.constant 0 : i32
      %dma_start3A_53 = tpu.memref_slice %arg7[%add3A_51, %dma_start3A_52] : memref<40x125xi32, #tpu.memory_space<vmem>> -> memref<1x125xi32, #tpu.memory_space<vmem>>
      %dma_start3A_54 = tpu.memref_squeeze %dma_start3A_53 : memref<1x125xi32, #tpu.memory_space<vmem>> -> memref<125xi32, #tpu.memory_space<vmem>>
      %dma_start3A_55 = arith.constant 0 : i32
      %dma_start3A_56 = arith.constant 0 : i32
      %dma_start3A_57 = tpu.memref_slice %arg2[%dma_start3A_55, %dma_start3A_56] : memref<10000x128xf32, #tpu.memory_space<hbm>> -> memref<10000x128xf32, #tpu.memory_space<hbm>>
      tpu.enqueue_indirect_dma source(%dma_start3A_57 : memref<10000x128xf32, #tpu.memory_space<hbm>>) target(%arg10 : memref<125x128xf32, #tpu.memory_space<vmem>>) offsets(%dma_start3A_54 : memref<125xi32, #tpu.memory_space<vmem>>) semaphore(%arg12 : memref<!tpu.dma_semaphore, #tpu.memory_space<semaphore_mem>>)
      "tpu.region"() ({
        %run_scoped3A = tpu.sem_alloc : memref<!tpu.dma_semaphore, #tpu.memory_space<semaphore_mem>>
        %dma_start3A_72 = arith.constant 0 : i32
        %dma_start3A_73 = tpu.memref_slice %arg8[%mul3A_44, %dma_start3A_72] : memref<40x125xi32, #tpu.memory_space<vmem>> -> memref<1x125xi32, #tpu.memory_space<vmem>>
        %dma_start3A_74 = tpu.memref_squeeze %dma_start3A_73 : memref<1x125xi32, #tpu.memory_space<vmem>> -> memref<125xi32, #tpu.memory_space<vmem>>
        %dma_start3A_75 = arith.constant 0 : i32
        %dma_start3A_76 = arith.constant 0 : i32
        %dma_start3A_77 = tpu.memref_slice %arg13[%dma_start3A_75, %dma_start3A_76] : memref<10240x128xf32, #tpu.memory_space<vmem_shared>> -> memref<10240x128xf32, #tpu.memory_space<vmem_shared>>
        tpu.enqueue_indirect_dma source(%arg9 : memref<125x128xf32, #tpu.memory_space<vmem>>) target(%dma_start3A_77 : memref<10240x128xf32, #tpu.memory_space<vmem_shared>>) offsets(%dma_start3A_74 : memref<125xi32, #tpu.memory_space<vmem>>) semaphore(%run_scoped3A : memref<!tpu.dma_semaphore, #tpu.memory_space<semaphore_mem>>) {add = true}
        %dma_wait3A_78 = arith.constant 0 : i32
        %dma_wait3A_79 = tpu.memref_slice %arg8[%mul3A_44, %dma_wait3A_78] : memref<40x125xi32, #tpu.memory_space<vmem>> -> memref<1x125xi32, #tpu.memory_space<vmem>>
        %dma_wait3A_80 = tpu.memref_squeeze %dma_wait3A_79 : memref<1x125xi32, #tpu.memory_space<vmem>> -> memref<125xi32, #tpu.memory_space<vmem>>
        %dma_wait3A_81 = arith.constant 0 : i32
        %dma_wait3A_82 = arith.constant 0 : i32
        %dma_wait3A_83 = tpu.memref_slice %arg13[%dma_wait3A_81, %dma_wait3A_82] : memref<10240x128xf32, #tpu.memory_space<vmem_shared>> -> memref<10240x128xf32, #tpu.memory_space<vmem_shared>>
        tpu.wait_indirect_dma semaphore(%run_scoped3A : memref<!tpu.dma_semaphore, #tpu.memory_space<semaphore_mem>>) src(%arg9 : memref<125x128xf32, #tpu.memory_space<vmem>>) dst(%dma_wait3A_83 : memref<10240x128xf32, #tpu.memory_space<vmem_shared>>)
        tpu.yield
      }) : () -> ()
      %add3A_58 = arith.constant 1 : i32
      %add3A_59 = arith.addi %mul3A_44, %add3A_58 : i32
      %dma_wait3A_60 = arith.constant 0 : i32
      %dma_wait3A_61 = tpu.memref_slice %arg7[%add3A_59, %dma_wait3A_60] : memref<40x125xi32, #tpu.memory_space<vmem>> -> memref<1x125xi32, #tpu.memory_space<vmem>>
      %dma_wait3A_62 = tpu.memref_squeeze %dma_wait3A_61 : memref<1x125xi32, #tpu.memory_space<vmem>> -> memref<125xi32, #tpu.memory_space<vmem>>
      %dma_wait3A_63 = arith.constant 0 : i32
      %dma_wait3A_64 = arith.constant 0 : i32
      %dma_wait3A_65 = tpu.memref_slice %arg2[%dma_wait3A_63, %dma_wait3A_64] : memref<10000x128xf32, #tpu.memory_space<hbm>> -> memref<10000x128xf32, #tpu.memory_space<hbm>>
      tpu.wait_indirect_dma semaphore(%arg12 : memref<!tpu.dma_semaphore, #tpu.memory_space<semaphore_mem>>) src(%dma_wait3A_65 : memref<10000x128xf32, #tpu.memory_space<hbm>>) dst(%arg10 : memref<125x128xf32, #tpu.memory_space<vmem>>)
      %add3A_66 = arith.constant 2 : i32
      %add3A_67 = arith.addi %mul3A_44, %add3A_66 : i32
      %lt3A = arith.constant 40 : i32
      %lt3A_68 = arith.cmpi slt, %add3A_67, %lt3A : i32
      %convert_element_type3A = arith.extui %lt3A_68 : i1 to i32
      %cond3A = arith.constant 0 : i32
      %cond3A_69 = arith.cmpi ne, %convert_element_type3A, %cond3A : i32
      scf.if %cond3A_69 {
        %add3A_72 = arith.constant 2 : i32
        %add3A_73 = arith.addi %mul3A_44, %add3A_72 : i32
        %dma_start3A_74 = arith.constant 0 : i32
        %dma_start3A_75 = tpu.memref_slice %arg7[%add3A_73, %dma_start3A_74] : memref<40x125xi32, #tpu.memory_space<vmem>> -> memref<1x125xi32, #tpu.memory_space<vmem>>
        %dma_start3A_76 = tpu.memref_squeeze %dma_start3A_75 : memref<1x125xi32, #tpu.memory_space<vmem>> -> memref<125xi32, #tpu.memory_space<vmem>>
        %dma_start3A_77 = arith.constant 0 : i32
        %dma_start3A_78 = arith.constant 0 : i32
        %dma_start3A_79 = tpu.memref_slice %arg2[%dma_start3A_77, %dma_start3A_78] : memref<10000x128xf32, #tpu.memory_space<hbm>> -> memref<10000x128xf32, #tpu.memory_space<hbm>>
        tpu.enqueue_indirect_dma source(%dma_start3A_79 : memref<10000x128xf32, #tpu.memory_space<hbm>>) target(%arg9 : memref<125x128xf32, #tpu.memory_space<vmem>>) offsets(%dma_start3A_76 : memref<125xi32, #tpu.memory_space<vmem>>) semaphore(%arg11 : memref<!tpu.dma_semaphore, #tpu.memory_space<semaphore_mem>>)
      } else {
      }
      %add3A_70 = arith.constant 1 : i32
      %add3A_71 = arith.addi %mul3A_44, %add3A_70 : i32
      "tpu.region"() ({
        %run_scoped3A = tpu.sem_alloc : memref<!tpu.dma_semaphore, #tpu.memory_space<semaphore_mem>>
        %dma_start3A_72 = arith.constant 0 : i32
        %dma_start3A_73 = tpu.memref_slice %arg8[%add3A_71, %dma_start3A_72] : memref<40x125xi32, #tpu.memory_space<vmem>> -> memref<1x125xi32, #tpu.memory_space<vmem>>
        %dma_start3A_74 = tpu.memref_squeeze %dma_start3A_73 : memref<1x125xi32, #tpu.memory_space<vmem>> -> memref<125xi32, #tpu.memory_space<vmem>>
        %dma_start3A_75 = arith.constant 0 : i32
        %dma_start3A_76 = arith.constant 0 : i32
        %dma_start3A_77 = tpu.memref_slice %arg13[%dma_start3A_75, %dma_start3A_76] : memref<10240x128xf32, #tpu.memory_space<vmem_shared>> -> memref<10240x128xf32, #tpu.memory_space<vmem_shared>>
        tpu.enqueue_indirect_dma source(%arg10 : memref<125x128xf32, #tpu.memory_space<vmem>>) target(%dma_start3A_77 : memref<10240x128xf32, #tpu.memory_space<vmem_shared>>) offsets(%dma_start3A_74 : memref<125xi32, #tpu.memory_space<vmem>>) semaphore(%run_scoped3A : memref<!tpu.dma_semaphore, #tpu.memory_space<semaphore_mem>>) {add = true}
        %dma_wait3A_78 = arith.constant 0 : i32
        %dma_wait3A_79 = tpu.memref_slice %arg8[%add3A_71, %dma_wait3A_78] : memref<40x125xi32, #tpu.memory_space<vmem>> -> memref<1x125xi32, #tpu.memory_space<vmem>>
        %dma_wait3A_80 = tpu.memref_squeeze %dma_wait3A_79 : memref<1x125xi32, #tpu.memory_space<vmem>> -> memref<125xi32, #tpu.memory_space<vmem>>
        %dma_wait3A_81 = arith.constant 0 : i32
        %dma_wait3A_82 = arith.constant 0 : i32
        %dma_wait3A_83 = tpu.memref_slice %arg13[%dma_wait3A_81, %dma_wait3A_82] : memref<10240x128xf32, #tpu.memory_space<vmem_shared>> -> memref<10240x128xf32, #tpu.memory_space<vmem_shared>>
        tpu.wait_indirect_dma semaphore(%run_scoped3A : memref<!tpu.dma_semaphore, #tpu.memory_space<semaphore_mem>>) src(%arg10 : memref<125x128xf32, #tpu.memory_space<vmem>>) dst(%dma_wait3A_83 : memref<10240x128xf32, #tpu.memory_space<vmem_shared>>)
        tpu.yield
      }) : () -> ()
    }
    %scan3A_19 = arith.constant 20 : i32
    %mul3A_20 = arith.constant 2 : i32
    %mul3A_21 = arith.muli %add3A, %mul3A_20 : i32
    %add3A_22 = arith.constant 1 : i32
    %add3A_23 = arith.addi %mul3A_21, %add3A_22 : i32
    "tpu.region"() ({
      %run_scoped3A = tpu.sem_alloc : memref<!tpu.dma_semaphore, #tpu.memory_space<semaphore_mem>>
      %dma_start3A_42 = arith.constant 0 : i32
      %dma_start3A_43 = arith.constant 0 : i32
      %dma_start3A_44 = tpu.memref_slice %arg3[%add3A_23, %dma_start3A_42, %dma_start3A_43] : memref<64x40x125xi32, #tpu.memory_space<hbm>> -> memref<1x40x125xi32, #tpu.memory_space<hbm>>
      %dma_start3A_45 = tpu.memref_squeeze %dma_start3A_44 : memref<1x40x125xi32, #tpu.memory_space<hbm>> -> memref<40x125xi32, #tpu.memory_space<hbm>>
      %dma_start3A_46 = arith.constant 0 : i32
      %dma_start3A_47 = arith.constant 0 : i32
      %dma_start3A_48 = tpu.memref_slice %arg3[%add3A_23, %dma_start3A_46, %dma_start3A_47] : memref<64x40x125xi32, #tpu.memory_space<hbm>> -> memref<1x40x125xi32, #tpu.memory_space<hbm>>
      %dma_start3A_49 = tpu.memref_squeeze %dma_start3A_48 : memref<1x40x125xi32, #tpu.memory_space<hbm>> -> memref<40x125xi32, #tpu.memory_space<hbm>>
      tpu.enqueue_dma source(%dma_start3A_49 : memref<40x125xi32, #tpu.memory_space<hbm>>) target(%arg7 : memref<40x125xi32, #tpu.memory_space<vmem>>) target_semaphore(%run_scoped3A : memref<!tpu.dma_semaphore, #tpu.memory_space<semaphore_mem>>)
      %dma_wait3A = arith.constant 0 : i32
      %dma_wait3A_50 = arith.constant 0 : i32
      %dma_wait3A_51 = tpu.memref_slice %arg3[%add3A_23, %dma_wait3A, %dma_wait3A_50] : memref<64x40x125xi32, #tpu.memory_space<hbm>> -> memref<1x40x125xi32, #tpu.memory_space<hbm>>
      %dma_wait3A_52 = tpu.memref_squeeze %dma_wait3A_51 : memref<1x40x125xi32, #tpu.memory_space<hbm>> -> memref<40x125xi32, #tpu.memory_space<hbm>>
      %dma_wait3A_53 = arith.constant 0 : i32
      %dma_wait3A_54 = arith.constant 0 : i32
      %dma_wait3A_55 = tpu.memref_slice %arg3[%add3A_23, %dma_wait3A_53, %dma_wait3A_54] : memref<64x40x125xi32, #tpu.memory_space<hbm>> -> memref<1x40x125xi32, #tpu.memory_space<hbm>>
      %dma_wait3A_56 = tpu.memref_squeeze %dma_wait3A_55 : memref<1x40x125xi32, #tpu.memory_space<hbm>> -> memref<40x125xi32, #tpu.memory_space<hbm>>
      tpu.wait_dma2 semaphore(%run_scoped3A : memref<!tpu.dma_semaphore, #tpu.memory_space<semaphore_mem>>) src(%dma_wait3A_56 : memref<40x125xi32, #tpu.memory_space<hbm>>) dst(%arg7 : memref<40x125xi32, #tpu.memory_space<vmem>>)
      tpu.yield
    }) : () -> ()
    "tpu.region"() ({
      %run_scoped3A = tpu.sem_alloc : memref<!tpu.dma_semaphore, #tpu.memory_space<semaphore_mem>>
      %dma_start3A_42 = arith.constant 0 : i32
      %dma_start3A_43 = arith.constant 0 : i32
      %dma_start3A_44 = tpu.memref_slice %arg4[%add3A_23, %dma_start3A_42, %dma_start3A_43] : memref<64x40x125xi32, #tpu.memory_space<hbm>> -> memref<1x40x125xi32, #tpu.memory_space<hbm>>
      %dma_start3A_45 = tpu.memref_squeeze %dma_start3A_44 : memref<1x40x125xi32, #tpu.memory_space<hbm>> -> memref<40x125xi32, #tpu.memory_space<hbm>>
      %dma_start3A_46 = arith.constant 0 : i32
      %dma_start3A_47 = arith.constant 0 : i32
      %dma_start3A_48 = tpu.memref_slice %arg4[%add3A_23, %dma_start3A_46, %dma_start3A_47] : memref<64x40x125xi32, #tpu.memory_space<hbm>> -> memref<1x40x125xi32, #tpu.memory_space<hbm>>
      %dma_start3A_49 = tpu.memref_squeeze %dma_start3A_48 : memref<1x40x125xi32, #tpu.memory_space<hbm>> -> memref<40x125xi32, #tpu.memory_space<hbm>>
      tpu.enqueue_dma source(%dma_start3A_49 : memref<40x125xi32, #tpu.memory_space<hbm>>) target(%arg8 : memref<40x125xi32, #tpu.memory_space<vmem>>) target_semaphore(%run_scoped3A : memref<!tpu.dma_semaphore, #tpu.memory_space<semaphore_mem>>)
      %dma_wait3A = arith.constant 0 : i32
      %dma_wait3A_50 = arith.constant 0 : i32
      %dma_wait3A_51 = tpu.memref_slice %arg4[%add3A_23, %dma_wait3A, %dma_wait3A_50] : memref<64x40x125xi32, #tpu.memory_space<hbm>> -> memref<1x40x125xi32, #tpu.memory_space<hbm>>
      %dma_wait3A_52 = tpu.memref_squeeze %dma_wait3A_51 : memref<1x40x125xi32, #tpu.memory_space<hbm>> -> memref<40x125xi32, #tpu.memory_space<hbm>>
      %dma_wait3A_53 = arith.constant 0 : i32
      %dma_wait3A_54 = arith.constant 0 : i32
      %dma_wait3A_55 = tpu.memref_slice %arg4[%add3A_23, %dma_wait3A_53, %dma_wait3A_54] : memref<64x40x125xi32, #tpu.memory_space<hbm>> -> memref<1x40x125xi32, #tpu.memory_space<hbm>>
      %dma_wait3A_56 = tpu.memref_squeeze %dma_wait3A_55 : memref<1x40x125xi32, #tpu.memory_space<hbm>> -> memref<40x125xi32, #tpu.memory_space<hbm>>
      tpu.wait_dma2 semaphore(%run_scoped3A : memref<!tpu.dma_semaphore, #tpu.memory_space<semaphore_mem>>) src(%dma_wait3A_56 : memref<40x125xi32, #tpu.memory_space<hbm>>) dst(%arg8 : memref<40x125xi32, #tpu.memory_space<vmem>>)
      tpu.yield
    }) : () -> ()
    %dma_start3A_24 = arith.constant 0 : i32
    %dma_start3A_25 = arith.constant 0 : i32
    %dma_start3A_26 = tpu.memref_slice %arg7[%dma_start3A_24, %dma_start3A_25] : memref<40x125xi32, #tpu.memory_space<vmem>> -> memref<1x125xi32, #tpu.memory_space<vmem>>
    %dma_start3A_27 = tpu.memref_squeeze %dma_start3A_26 : memref<1x125xi32, #tpu.memory_space<vmem>> -> memref<125xi32, #tpu.memory_space<vmem>>
    %dma_start3A_28 = arith.constant 0 : i32
    %dma_start3A_29 = arith.constant 0 : i32
    %dma_start3A_30 = tpu.memref_slice %arg2[%dma_start3A_28, %dma_start3A_29] : memref<10000x128xf32, #tpu.memory_space<hbm>> -> memref<10000x128xf32, #tpu.memory_space<hbm>>
    tpu.enqueue_indirect_dma source(%dma_start3A_30 : memref<10000x128xf32, #tpu.memory_space<hbm>>) target(%arg9 : memref<125x128xf32, #tpu.memory_space<vmem>>) offsets(%dma_start3A_27 : memref<125xi32, #tpu.memory_space<vmem>>) semaphore(%arg11 : memref<!tpu.dma_semaphore, #tpu.memory_space<semaphore_mem>>)
    %scan3A_31 = arith.constant 0 : i32
    %scan3A_32 = arith.constant 0 : i32
    %scan3A_33 = arith.constant 20 : i32
    %scan3A_34 = arith.addi %scan3A_32, %scan3A_33 : i32
    %scan3A_35 = arith.constant 1 : i32
    scf.for %scan3A_42 = %scan3A_32 to %scan3A_34 step %scan3A_35  : i32 {
      %mul3A_43 = arith.constant 2 : i32
      %mul3A_44 = arith.muli %mul3A_43, %scan3A_42 : i32
      %dma_wait3A = arith.constant 0 : i32
      %dma_wait3A_45 = tpu.memref_slice %arg7[%mul3A_44, %dma_wait3A] : memref<40x125xi32, #tpu.memory_space<vmem>> -> memref<1x125xi32, #tpu.memory_space<vmem>>
      %dma_wait3A_46 = tpu.memref_squeeze %dma_wait3A_45 : memref<1x125xi32, #tpu.memory_space<vmem>> -> memref<125xi32, #tpu.memory_space<vmem>>
      %dma_wait3A_47 = arith.constant 0 : i32
      %dma_wait3A_48 = arith.constant 0 : i32
      %dma_wait3A_49 = tpu.memref_slice %arg2[%dma_wait3A_47, %dma_wait3A_48] : memref<10000x128xf32, #tpu.memory_space<hbm>> -> memref<10000x128xf32, #tpu.memory_space<hbm>>
      tpu.wait_indirect_dma semaphore(%arg11 : memref<!tpu.dma_semaphore, #tpu.memory_space<semaphore_mem>>) src(%dma_wait3A_49 : memref<10000x128xf32, #tpu.memory_space<hbm>>) dst(%arg9 : memref<125x128xf32, #tpu.memory_space<vmem>>)
      %add3A_50 = arith.constant 1 : i32
      %add3A_51 = arith.addi %mul3A_44, %add3A_50 : i32
      %dma_start3A_52 = arith.constant 0 : i32
      %dma_start3A_53 = tpu.memref_slice %arg7[%add3A_51, %dma_start3A_52] : memref<40x125xi32, #tpu.memory_space<vmem>> -> memref<1x125xi32, #tpu.memory_space<vmem>>
      %dma_start3A_54 = tpu.memref_squeeze %dma_start3A_53 : memref<1x125xi32, #tpu.memory_space<vmem>> -> memref<125xi32, #tpu.memory_space<vmem>>
      %dma_start3A_55 = arith.constant 0 : i32
      %dma_start3A_56 = arith.constant 0 : i32
      %dma_start3A_57 = tpu.memref_slice %arg2[%dma_start3A_55, %dma_start3A_56] : memref<10000x128xf32, #tpu.memory_space<hbm>> -> memref<10000x128xf32, #tpu.memory_space<hbm>>
      tpu.enqueue_indirect_dma source(%dma_start3A_57 : memref<10000x128xf32, #tpu.memory_space<hbm>>) target(%arg10 : memref<125x128xf32, #tpu.memory_space<vmem>>) offsets(%dma_start3A_54 : memref<125xi32, #tpu.memory_space<vmem>>) semaphore(%arg12 : memref<!tpu.dma_semaphore, #tpu.memory_space<semaphore_mem>>)
      "tpu.region"() ({
        %run_scoped3A = tpu.sem_alloc : memref<!tpu.dma_semaphore, #tpu.memory_space<semaphore_mem>>
        %dma_start3A_72 = arith.constant 0 : i32
        %dma_start3A_73 = tpu.memref_slice %arg8[%mul3A_44, %dma_start3A_72] : memref<40x125xi32, #tpu.memory_space<vmem>> -> memref<1x125xi32, #tpu.memory_space<vmem>>
        %dma_start3A_74 = tpu.memref_squeeze %dma_start3A_73 : memref<1x125xi32, #tpu.memory_space<vmem>> -> memref<125xi32, #tpu.memory_space<vmem>>
        %dma_start3A_75 = arith.constant 0 : i32
        %dma_start3A_76 = arith.constant 0 : i32
        %dma_start3A_77 = tpu.memref_slice %arg13[%dma_start3A_75, %dma_start3A_76] : memref<10240x128xf32, #tpu.memory_space<vmem_shared>> -> memref<10240x128xf32, #tpu.memory_space<vmem_shared>>
        tpu.enqueue_indirect_dma source(%arg9 : memref<125x128xf32, #tpu.memory_space<vmem>>) target(%dma_start3A_77 : memref<10240x128xf32, #tpu.memory_space<vmem_shared>>) offsets(%dma_start3A_74 : memref<125xi32, #tpu.memory_space<vmem>>) semaphore(%run_scoped3A : memref<!tpu.dma_semaphore, #tpu.memory_space<semaphore_mem>>) {add = true}
        %dma_wait3A_78 = arith.constant 0 : i32
        %dma_wait3A_79 = tpu.memref_slice %arg8[%mul3A_44, %dma_wait3A_78] : memref<40x125xi32, #tpu.memory_space<vmem>> -> memref<1x125xi32, #tpu.memory_space<vmem>>
        %dma_wait3A_80 = tpu.memref_squeeze %dma_wait3A_79 : memref<1x125xi32, #tpu.memory_space<vmem>> -> memref<125xi32, #tpu.memory_space<vmem>>
        %dma_wait3A_81 = arith.constant 0 : i32
        %dma_wait3A_82 = arith.constant 0 : i32
        %dma_wait3A_83 = tpu.memref_slice %arg13[%dma_wait3A_81, %dma_wait3A_82] : memref<10240x128xf32, #tpu.memory_space<vmem_shared>> -> memref<10240x128xf32, #tpu.memory_space<vmem_shared>>
        tpu.wait_indirect_dma semaphore(%run_scoped3A : memref<!tpu.dma_semaphore, #tpu.memory_space<semaphore_mem>>) src(%arg9 : memref<125x128xf32, #tpu.memory_space<vmem>>) dst(%dma_wait3A_83 : memref<10240x128xf32, #tpu.memory_space<vmem_shared>>)
        tpu.yield
      }) : () -> ()
      %add3A_58 = arith.constant 1 : i32
      %add3A_59 = arith.addi %mul3A_44, %add3A_58 : i32
      %dma_wait3A_60 = arith.constant 0 : i32
      %dma_wait3A_61 = tpu.memref_slice %arg7[%add3A_59, %dma_wait3A_60] : memref<40x125xi32, #tpu.memory_space<vmem>> -> memref<1x125xi32, #tpu.memory_space<vmem>>
      %dma_wait3A_62 = tpu.memref_squeeze %dma_wait3A_61 : memref<1x125xi32, #tpu.memory_space<vmem>> -> memref<125xi32, #tpu.memory_space<vmem>>
      %dma_wait3A_63 = arith.constant 0 : i32
      %dma_wait3A_64 = arith.constant 0 : i32
      %dma_wait3A_65 = tpu.memref_slice %arg2[%dma_wait3A_63, %dma_wait3A_64] : memref<10000x128xf32, #tpu.memory_space<hbm>> -> memref<10000x128xf32, #tpu.memory_space<hbm>>
      tpu.wait_indirect_dma semaphore(%arg12 : memref<!tpu.dma_semaphore, #tpu.memory_space<semaphore_mem>>) src(%dma_wait3A_65 : memref<10000x128xf32, #tpu.memory_space<hbm>>) dst(%arg10 : memref<125x128xf32, #tpu.memory_space<vmem>>)
      %add3A_66 = arith.constant 2 : i32
      %add3A_67 = arith.addi %mul3A_44, %add3A_66 : i32
      %lt3A = arith.constant 40 : i32
      %lt3A_68 = arith.cmpi slt, %add3A_67, %lt3A : i32
      %convert_element_type3A = arith.extui %lt3A_68 : i1 to i32
      %cond3A = arith.constant 0 : i32
      %cond3A_69 = arith.cmpi ne, %convert_element_type3A, %cond3A : i32
      scf.if %cond3A_69 {
        %add3A_72 = arith.constant 2 : i32
        %add3A_73 = arith.addi %mul3A_44, %add3A_72 : i32
        %dma_start3A_74 = arith.constant 0 : i32
        %dma_start3A_75 = tpu.memref_slice %arg7[%add3A_73, %dma_start3A_74] : memref<40x125xi32, #tpu.memory_space<vmem>> -> memref<1x125xi32, #tpu.memory_space<vmem>>
        %dma_start3A_76 = tpu.memref_squeeze %dma_start3A_75 : memref<1x125xi32, #tpu.memory_space<vmem>> -> memref<125xi32, #tpu.memory_space<vmem>>
        %dma_start3A_77 = arith.constant 0 : i32
        %dma_start3A_78 = arith.constant 0 : i32
        %dma_start3A_79 = tpu.memref_slice %arg2[%dma_start3A_77, %dma_start3A_78] : memref<10000x128xf32, #tpu.memory_space<hbm>> -> memref<10000x128xf32, #tpu.memory_space<hbm>>
        tpu.enqueue_indirect_dma source(%dma_start3A_79 : memref<10000x128xf32, #tpu.memory_space<hbm>>) target(%arg9 : memref<125x128xf32, #tpu.memory_space<vmem>>) offsets(%dma_start3A_76 : memref<125xi32, #tpu.memory_space<vmem>>) semaphore(%arg11 : memref<!tpu.dma_semaphore, #tpu.memory_space<semaphore_mem>>)
      } else {
      }
      %add3A_70 = arith.constant 1 : i32
      %add3A_71 = arith.addi %mul3A_44, %add3A_70 : i32
      "tpu.region"() ({
        %run_scoped3A = tpu.sem_alloc : memref<!tpu.dma_semaphore, #tpu.memory_space<semaphore_mem>>
        %dma_start3A_72 = arith.constant 0 : i32
        %dma_start3A_73 = tpu.memref_slice %arg8[%add3A_71, %dma_start3A_72] : memref<40x125xi32, #tpu.memory_space<vmem>> -> memref<1x125xi32, #tpu.memory_space<vmem>>
        %dma_start3A_74 = tpu.memref_squeeze %dma_start3A_73 : memref<1x125xi32, #tpu.memory_space<vmem>> -> memref<125xi32, #tpu.memory_space<vmem>>
        %dma_start3A_75 = arith.constant 0 : i32
        %dma_start3A_76 = arith.constant 0 : i32
        %dma_start3A_77 = tpu.memref_slice %arg13[%dma_start3A_75, %dma_start3A_76] : memref<10240x128xf32, #tpu.memory_space<vmem_shared>> -> memref<10240x128xf32, #tpu.memory_space<vmem_shared>>
        tpu.enqueue_indirect_dma source(%arg10 : memref<125x128xf32, #tpu.memory_space<vmem>>) target(%dma_start3A_77 : memref<10240x128xf32, #tpu.memory_space<vmem_shared>>) offsets(%dma_start3A_74 : memref<125xi32, #tpu.memory_space<vmem>>) semaphore(%run_scoped3A : memref<!tpu.dma_semaphore, #tpu.memory_space<semaphore_mem>>) {add = true}
        %dma_wait3A_78 = arith.constant 0 : i32
        %dma_wait3A_79 = tpu.memref_slice %arg8[%add3A_71, %dma_wait3A_78] : memref<40x125xi32, #tpu.memory_space<vmem>> -> memref<1x125xi32, #tpu.memory_space<vmem>>
        %dma_wait3A_80 = tpu.memref_squeeze %dma_wait3A_79 : memref<1x125xi32, #tpu.memory_space<vmem>> -> memref<125xi32, #tpu.memory_space<vmem>>
        %dma_wait3A_81 = arith.constant 0 : i32
        %dma_wait3A_82 = arith.constant 0 : i32
        %dma_wait3A_83 = tpu.memref_slice %arg13[%dma_wait3A_81, %dma_wait3A_82] : memref<10240x128xf32, #tpu.memory_space<vmem_shared>> -> memref<10240x128xf32, #tpu.memory_space<vmem_shared>>
        tpu.wait_indirect_dma semaphore(%run_scoped3A : memref<!tpu.dma_semaphore, #tpu.memory_space<semaphore_mem>>) src(%arg10 : memref<125x128xf32, #tpu.memory_space<vmem>>) dst(%dma_wait3A_83 : memref<10240x128xf32, #tpu.memory_space<vmem_shared>>)
        tpu.yield
      }) : () -> ()
    }
    %scan3A_36 = arith.constant 20 : i32
    %barrier3A_37 = arith.constant 0 : index
    tpu.barrier barrier_id(%barrier3A_37)
    %mul3A_38 = arith.constant 640 : i32
    %mul3A_39 = arith.muli %arg1, %mul3A_38 : i32
    %mul3A_40 = arith.constant 640 : i32
    %mul3A_41 = arith.muli %arg1, %mul3A_40 : i32
    "tpu.region"() ({
      %run_scoped3A = tpu.sem_alloc : memref<!tpu.dma_semaphore, #tpu.memory_space<semaphore_mem>>
      %dma_start3A_42 = arith.constant 0 : i32
      %dma_start3A_43 = tpu.memref_slice %arg6[%arg0, %mul3A_41, %dma_start3A_42] : memref<2x10240x128xf32, #tpu.memory_space<hbm>> -> memref<1x640x128xf32, #tpu.memory_space<hbm>>
      %dma_start3A_44 = tpu.memref_squeeze %dma_start3A_43 : memref<1x640x128xf32, #tpu.memory_space<hbm>> -> memref<640x128xf32, #tpu.memory_space<hbm>>
      %dma_start3A_45 = arith.constant 0 : i32
      %dma_start3A_46 = tpu.memref_slice %arg13[%mul3A_39, %dma_start3A_45] : memref<10240x128xf32, #tpu.memory_space<vmem_shared>> -> memref<640x128xf32, #tpu.memory_space<vmem_shared>>
      tpu.enqueue_dma source(%dma_start3A_46 : memref<640x128xf32, #tpu.memory_space<vmem_shared>>) target(%dma_start3A_44 : memref<640x128xf32, #tpu.memory_space<hbm>>) target_semaphore(%run_scoped3A : memref<!tpu.dma_semaphore, #tpu.memory_space<semaphore_mem>>)
      %dma_wait3A = arith.constant 0 : i32
      %dma_wait3A_47 = tpu.memref_slice %arg6[%arg0, %mul3A_41, %dma_wait3A] : memref<2x10240x128xf32, #tpu.memory_space<hbm>> -> memref<1x640x128xf32, #tpu.memory_space<hbm>>
      %dma_wait3A_48 = tpu.memref_squeeze %dma_wait3A_47 : memref<1x640x128xf32, #tpu.memory_space<hbm>> -> memref<640x128xf32, #tpu.memory_space<hbm>>
      %dma_wait3A_49 = arith.constant 0 : i32
      %dma_wait3A_50 = tpu.memref_slice %arg13[%mul3A_39, %dma_wait3A_49] : memref<10240x128xf32, #tpu.memory_space<vmem_shared>> -> memref<640x128xf32, #tpu.memory_space<vmem_shared>>
      tpu.wait_dma2 semaphore(%run_scoped3A : memref<!tpu.dma_semaphore, #tpu.memory_space<semaphore_mem>>) src(%dma_wait3A_50 : memref<640x128xf32, #tpu.memory_space<vmem_shared>>) dst(%dma_wait3A_48 : memref<640x128xf32, #tpu.memory_space<hbm>>)
      tpu.yield
    }) : () -> ()
    return
  }
}

module attributes {stable_mosaic.version = 14 : i64} {
  func.func @body(%arg0: i32, %arg1: memref<2x2000x128xf32, #tpu.memory_space<vmem>>, %arg2: memref<2000x128xf32, #tpu.memory_space<vmem>>, %arg3: memref<128x384xf32, #tpu.memory_space<vmem>>, %arg4: memref<128x384xf32, #tpu.memory_space<vmem>>, %arg5: memref<1x384xf32, #tpu.memory_space<vmem>>, %arg6: memref<1x384xf32, #tpu.memory_space<vmem>>, %arg7: memref<2000x128xf32, #tpu.memory_space<vmem>>) attributes {dimension_semantics = [#tpu.dimension_semantics<arbitrary>], iteration_bounds = array<i64: 5>, scalar_prefetch = 0 : i64, scratch_operands = 0 : i64, tpu.core_type = #tpu.core_type<tc>, window_params = [{transform_indices = @transform_0, window_bounds = array<i64: 2, 2000, 128>}, {transform_indices = @transform_1, window_bounds = array<i64: 2000, 128>}, {pipeline_mode = #tpu.pipeline_mode<synchronous>, transform_indices = @transform_2, window_bounds = array<i64: 128, 384>}, {pipeline_mode = #tpu.pipeline_mode<synchronous>, transform_indices = @transform_3, window_bounds = array<i64: 128, 384>}, {pipeline_mode = #tpu.pipeline_mode<synchronous>, transform_indices = @transform_4, window_bounds = array<i64: 1, 384>}, {pipeline_mode = #tpu.pipeline_mode<synchronous>, transform_indices = @transform_5, window_bounds = array<i64: 1, 384>}, {transform_indices = @transform_6, window_bounds = array<i64: 2000, 128>}]} {
    %get3A = arith.constant 0 : index
    %get3A_0 = arith.constant 0 : index
    %get3A_1 = arith.constant 0 : index
    %get3A_2 = vector.load %arg1[%get3A, %get3A_0, %get3A_1] : memref<2x2000x128xf32, #tpu.memory_space<vmem>>, vector<1x2000x128xf32>
    %get3A_3 = vector.shape_cast %get3A_2 : vector<1x2000x128xf32> to vector<2000x128xf32>
    %get3A_4 = arith.constant 1 : index
    %get3A_5 = arith.constant 0 : index
    %get3A_6 = arith.constant 0 : index
    %get3A_7 = vector.load %arg1[%get3A_4, %get3A_5, %get3A_6] : memref<2x2000x128xf32, #tpu.memory_space<vmem>>, vector<1x2000x128xf32>
    %get3A_8 = vector.shape_cast %get3A_7 : vector<1x2000x128xf32> to vector<2000x128xf32>
    %add3A = arith.addf %get3A_3, %get3A_8 : vector<2000x128xf32>
    %get3A_9 = arith.constant 0 : index
    %get3A_10 = arith.constant 0 : index
    %get3A_11 = vector.load %arg3[%get3A_9, %get3A_10] : memref<128x384xf32, #tpu.memory_space<vmem>>, vector<128x384xf32>
    %dot_general3A = arith.constant dense<0.000000e+00> : vector<2000x384xf32>
    %dot_general3A_12 = tpu.matmul %add3A, %get3A_11, %dot_general3A {dimension_numbers = #tpu.dot_dimension_numbers<[1], [0], [0], [1], [0, 0, 1, 1], [], []>, transpose_lhs_hint = false} : vector<2000x128xf32>, vector<128x384xf32>, vector<2000x384xf32> -> vector<2000x384xf32>
    %get3A_13 = arith.constant 0 : index
    %get3A_14 = arith.constant 0 : index
    %get3A_15 = vector.load %arg5[%get3A_13, %get3A_14] : memref<1x384xf32, #tpu.memory_space<vmem>>, vector<1x384xf32>
    %add3A_16 = vector.broadcast %get3A_15 : vector<1x384xf32> to vector<2000x384xf32>
    %add3A_17 = arith.addf %dot_general3A_12, %add3A_16 : vector<2000x384xf32>
    %get3A_18 = arith.constant 0 : index
    %get3A_19 = arith.constant 0 : index
    %get3A_20 = vector.load %arg2[%get3A_18, %get3A_19] : memref<2000x128xf32, #tpu.memory_space<vmem>>, vector<2000x128xf32>
    %get3A_21 = arith.constant 0 : index
    %get3A_22 = arith.constant 0 : index
    %get3A_23 = vector.load %arg4[%get3A_21, %get3A_22] : memref<128x384xf32, #tpu.memory_space<vmem>>, vector<128x384xf32>
    %dot_general3A_24 = arith.constant dense<0.000000e+00> : vector<2000x384xf32>
    %dot_general3A_25 = tpu.matmul %get3A_20, %get3A_23, %dot_general3A_24 {dimension_numbers = #tpu.dot_dimension_numbers<[1], [0], [0], [1], [0, 0, 1, 1], [], []>, transpose_lhs_hint = false} : vector<2000x128xf32>, vector<128x384xf32>, vector<2000x384xf32> -> vector<2000x384xf32>
    %get3A_26 = arith.constant 0 : index
    %get3A_27 = arith.constant 0 : index
    %get3A_28 = vector.load %arg6[%get3A_26, %get3A_27] : memref<1x384xf32, #tpu.memory_space<vmem>>, vector<1x384xf32>
    %add3A_29 = vector.broadcast %get3A_28 : vector<1x384xf32> to vector<2000x384xf32>
    %add3A_30 = arith.addf %dot_general3A_25, %add3A_29 : vector<2000x384xf32>
    %slice3A = vector.extract_strided_slice %add3A_17 {offsets = [0, 0], sizes = [2000, 128], strides = [1, 1]} : vector<2000x384xf32> to vector<2000x128xf32>
    %slice3A_31 = vector.extract_strided_slice %add3A_30 {offsets = [0, 0], sizes = [2000, 128], strides = [1, 1]} : vector<2000x384xf32> to vector<2000x128xf32>
    %add3A_32 = arith.addf %slice3A, %slice3A_31 : vector<2000x128xf32>
    %logistic3A = arith.negf %add3A_32 : vector<2000x128xf32>
    %logistic3A_33 = math.exp %logistic3A : vector<2000x128xf32>
    %logistic3A_34 = arith.constant 1.000000e+00 : f32
    %logistic3A_35 = vector.broadcast %logistic3A_34 : f32 to vector<2000x128xf32>
    %logistic3A_36 = arith.addf %logistic3A_35, %logistic3A_33 : vector<2000x128xf32>
    %logistic3A_37 = arith.divf %logistic3A_35, %logistic3A_36 : vector<2000x128xf32>
    %slice3A_38 = vector.extract_strided_slice %add3A_17 {offsets = [0, 128], sizes = [2000, 128], strides = [1, 1]} : vector<2000x384xf32> to vector<2000x128xf32>
    %slice3A_39 = vector.extract_strided_slice %add3A_30 {offsets = [0, 128], sizes = [2000, 128], strides = [1, 1]} : vector<2000x384xf32> to vector<2000x128xf32>
    %add3A_40 = arith.addf %slice3A_38, %slice3A_39 : vector<2000x128xf32>
    %logistic3A_41 = arith.negf %add3A_40 : vector<2000x128xf32>
    %logistic3A_42 = math.exp %logistic3A_41 : vector<2000x128xf32>
    %logistic3A_43 = arith.constant 1.000000e+00 : f32
    %logistic3A_44 = vector.broadcast %logistic3A_43 : f32 to vector<2000x128xf32>
    %logistic3A_45 = arith.addf %logistic3A_44, %logistic3A_42 : vector<2000x128xf32>
    %logistic3A_46 = arith.divf %logistic3A_44, %logistic3A_45 : vector<2000x128xf32>
    %slice3A_47 = vector.extract_strided_slice %add3A_17 {offsets = [0, 256], sizes = [2000, 128], strides = [1, 1]} : vector<2000x384xf32> to vector<2000x128xf32>
    %slice3A_48 = vector.extract_strided_slice %add3A_30 {offsets = [0, 256], sizes = [2000, 128], strides = [1, 1]} : vector<2000x384xf32> to vector<2000x128xf32>
    %mul3A = arith.mulf %logistic3A_37, %slice3A_48 : vector<2000x128xf32>
    %add3A_49 = arith.addf %slice3A_47, %mul3A : vector<2000x128xf32>
    %tanh3A = math.tanh %add3A_49 : vector<2000x128xf32>
    %sub3A = arith.constant 1.000000e+00 : f32
    %sub3A_50 = vector.broadcast %sub3A : f32 to vector<2000x128xf32>
    %sub3A_51 = arith.subf %sub3A_50, %logistic3A_46 : vector<2000x128xf32>
    %mul3A_52 = arith.mulf %sub3A_51, %tanh3A : vector<2000x128xf32>
    %get3A_53 = arith.constant 0 : index
    %get3A_54 = arith.constant 0 : index
    %get3A_55 = vector.load %arg2[%get3A_53, %get3A_54] : memref<2000x128xf32, #tpu.memory_space<vmem>>, vector<2000x128xf32>
    %mul3A_56 = arith.mulf %logistic3A_46, %get3A_55 : vector<2000x128xf32>
    %add3A_57 = arith.addf %mul3A_52, %mul3A_56 : vector<2000x128xf32>
    %swap3A = arith.constant 0 : index
    %swap3A_58 = arith.constant 0 : index
    %swap3A_59 = vector.load %arg7[%swap3A, %swap3A_58] : memref<2000x128xf32, #tpu.memory_space<vmem>>, vector<2000x128xf32>
    tpu.vector_store %arg7[%swap3A, %swap3A_58], %add3A_57 {strides = array<i32>} : memref<2000x128xf32, #tpu.memory_space<vmem>>, vector<2000x128xf32>,
    return
  }
  func.func @transform_0(%arg0: i32) -> (i32, i32, i32) {
    %c0_i32 = arith.constant 0 : i32
    %c0_i32_0 = arith.constant 0 : i32
    %c0_i32_1 = arith.constant 0 : i32
    return %c0_i32, %arg0, %c0_i32_0 : i32, i32, i32
  }
  func.func @transform_1(%arg0: i32) -> (i32, i32) {
    %c0_i32 = arith.constant 0 : i32
    %c0_i32_0 = arith.constant 0 : i32
    return %arg0, %c0_i32 : i32, i32
  }
  func.func @transform_2(%arg0: i32) -> (i32, i32) {
    %c0_i32 = arith.constant 0 : i32
    %c0_i32_0 = arith.constant 0 : i32
    %c0_i32_1 = arith.constant 0 : i32
    return %c0_i32, %c0_i32_0 : i32, i32
  }
  func.func @transform_3(%arg0: i32) -> (i32, i32) {
    %c0_i32 = arith.constant 0 : i32
    %c0_i32_0 = arith.constant 0 : i32
    %c0_i32_1 = arith.constant 0 : i32
    return %c0_i32, %c0_i32_0 : i32, i32
  }
  func.func @transform_4(%arg0: i32) -> (i32, i32) {
    %c0_i32 = arith.constant 0 : i32
    %c0_i32_0 = arith.constant 0 : i32
    %c0_i32_1 = arith.constant 0 : i32
    return %c0_i32, %c0_i32_0 : i32, i32
  }
  func.func @transform_5(%arg0: i32) -> (i32, i32) {
    %c0_i32 = arith.constant 0 : i32
    %c0_i32_0 = arith.constant 0 : i32
    %c0_i32_1 = arith.constant 0 : i32
    return %c0_i32, %c0_i32_0 : i32, i32
  }
  func.func @transform_6(%arg0: i32) -> (i32, i32) {
    %c0_i32 = arith.constant 0 : i32
    %c0_i32_0 = arith.constant 0 : i32
    return %arg0, %c0_i32 : i32, i32
  }
}

module attributes {stable_mosaic.version = 14 : i64} {
  func.func @body(%arg0: i32, %arg1: memref<2x2000x128xf32, #tpu.memory_space<vmem>>, %arg2: memref<2000x128xf32, #tpu.memory_space<vmem>>, %arg3: memref<2000x128xf32, #tpu.memory_space<vmem>>, %arg4: memref<128x384xf32, #tpu.memory_space<vmem>>, %arg5: memref<128x384xf32, #tpu.memory_space<vmem>>, %arg6: memref<1x384xf32, #tpu.memory_space<vmem>>, %arg7: memref<1x384xf32, #tpu.memory_space<vmem>>, %arg8: memref<128x128xf32, #tpu.memory_space<vmem>>, %arg9: memref<128x128xf32, #tpu.memory_space<vmem>>, %arg10: memref<1x128xf32, #tpu.memory_space<vmem>>, %arg11: memref<128x64xf32, #tpu.memory_space<vmem>>, %arg12: memref<1x64xf32, #tpu.memory_space<vmem>>, %arg13: memref<128x64xf32, #tpu.memory_space<vmem>>, %arg14: memref<1x64xf32, #tpu.memory_space<vmem>>, %arg15: memref<2000x64xf32, #tpu.memory_space<vmem>>) attributes {dimension_semantics = [#tpu.dimension_semantics<arbitrary>], iteration_bounds = array<i64: 5>, scalar_prefetch = 0 : i64, scratch_operands = 0 : i64, tpu.core_type = #tpu.core_type<tc>, window_params = [{transform_indices = @transform_0, window_bounds = array<i64: 2, 2000, 128>}, {transform_indices = @transform_1, window_bounds = array<i64: 2000, 128>}, {transform_indices = @transform_2, window_bounds = array<i64: 2000, 128>}, {pipeline_mode = #tpu.pipeline_mode<synchronous>, transform_indices = @transform_3, window_bounds = array<i64: 128, 384>}, {pipeline_mode = #tpu.pipeline_mode<synchronous>, transform_indices = @transform_4, window_bounds = array<i64: 128, 384>}, {pipeline_mode = #tpu.pipeline_mode<synchronous>, transform_indices = @transform_5, window_bounds = array<i64: 1, 384>}, {pipeline_mode = #tpu.pipeline_mode<synchronous>, transform_indices = @transform_6, window_bounds = array<i64: 1, 384>}, {pipeline_mode = #tpu.pipeline_mode<synchronous>, transform_indices = @transform_7, window_bounds = array<i64: 128, 128>}, {pipeline_mode = #tpu.pipeline_mode<synchronous>, transform_indices = @transform_8, window_bounds = array<i64: 128, 128>}, {pipeline_mode = #tpu.pipeline_mode<synchronous>, transform_indices = @transform_9, window_bounds = array<i64: 1, 128>}, {pipeline_mode = #tpu.pipeline_mode<synchronous>, transform_indices = @transform_10, window_bounds = array<i64: 128, 64>}, {pipeline_mode = #tpu.pipeline_mode<synchronous>, transform_indices = @transform_11, window_bounds = array<i64: 1, 64>}, {pipeline_mode = #tpu.pipeline_mode<synchronous>, transform_indices = @transform_12, window_bounds = array<i64: 128, 64>}, {pipeline_mode = #tpu.pipeline_mode<synchronous>, transform_indices = @transform_13, window_bounds = array<i64: 1, 64>}, {transform_indices = @transform_14, window_bounds = array<i64: 2000, 64>}]} {
    %get3A = arith.constant 0 : index
    %get3A_0 = arith.constant 0 : index
    %get3A_1 = arith.constant 0 : index
    %get3A_2 = vector.load %arg1[%get3A, %get3A_0, %get3A_1] : memref<2x2000x128xf32, #tpu.memory_space<vmem>>, vector<1x2000x128xf32>
    %get3A_3 = vector.shape_cast %get3A_2 : vector<1x2000x128xf32> to vector<2000x128xf32>
    %get3A_4 = arith.constant 1 : index
    %get3A_5 = arith.constant 0 : index
    %get3A_6 = arith.constant 0 : index
    %get3A_7 = vector.load %arg1[%get3A_4, %get3A_5, %get3A_6] : memref<2x2000x128xf32, #tpu.memory_space<vmem>>, vector<1x2000x128xf32>
    %get3A_8 = vector.shape_cast %get3A_7 : vector<1x2000x128xf32> to vector<2000x128xf32>
    %add3A = arith.addf %get3A_3, %get3A_8 : vector<2000x128xf32>
    %get3A_9 = arith.constant 0 : index
    %get3A_10 = arith.constant 0 : index
    %get3A_11 = vector.load %arg4[%get3A_9, %get3A_10] : memref<128x384xf32, #tpu.memory_space<vmem>>, vector<128x384xf32>
    %dot_general3A = arith.constant dense<0.000000e+00> : vector<2000x384xf32>
    %dot_general3A_12 = tpu.matmul %add3A, %get3A_11, %dot_general3A {dimension_numbers = #tpu.dot_dimension_numbers<[1], [0], [0], [1], [0, 0, 1, 1], [], []>, transpose_lhs_hint = false} : vector<2000x128xf32>, vector<128x384xf32>, vector<2000x384xf32> -> vector<2000x384xf32>
    %get3A_13 = arith.constant 0 : index
    %get3A_14 = arith.constant 0 : index
    %get3A_15 = vector.load %arg6[%get3A_13, %get3A_14] : memref<1x384xf32, #tpu.memory_space<vmem>>, vector<1x384xf32>
    %add3A_16 = vector.broadcast %get3A_15 : vector<1x384xf32> to vector<2000x384xf32>
    %add3A_17 = arith.addf %dot_general3A_12, %add3A_16 : vector<2000x384xf32>
    %get3A_18 = arith.constant 0 : index
    %get3A_19 = arith.constant 0 : index
    %get3A_20 = vector.load %arg2[%get3A_18, %get3A_19] : memref<2000x128xf32, #tpu.memory_space<vmem>>, vector<2000x128xf32>
    %get3A_21 = arith.constant 0 : index
    %get3A_22 = arith.constant 0 : index
    %get3A_23 = vector.load %arg5[%get3A_21, %get3A_22] : memref<128x384xf32, #tpu.memory_space<vmem>>, vector<128x384xf32>
    %dot_general3A_24 = arith.constant dense<0.000000e+00> : vector<2000x384xf32>
    %dot_general3A_25 = tpu.matmul %get3A_20, %get3A_23, %dot_general3A_24 {dimension_numbers = #tpu.dot_dimension_numbers<[1], [0], [0], [1], [0, 0, 1, 1], [], []>, transpose_lhs_hint = false} : vector<2000x128xf32>, vector<128x384xf32>, vector<2000x384xf32> -> vector<2000x384xf32>
    %get3A_26 = arith.constant 0 : index
    %get3A_27 = arith.constant 0 : index
    %get3A_28 = vector.load %arg7[%get3A_26, %get3A_27] : memref<1x384xf32, #tpu.memory_space<vmem>>, vector<1x384xf32>
    %add3A_29 = vector.broadcast %get3A_28 : vector<1x384xf32> to vector<2000x384xf32>
    %add3A_30 = arith.addf %dot_general3A_25, %add3A_29 : vector<2000x384xf32>
    %slice3A = vector.extract_strided_slice %add3A_17 {offsets = [0, 0], sizes = [2000, 128], strides = [1, 1]} : vector<2000x384xf32> to vector<2000x128xf32>
    %slice3A_31 = vector.extract_strided_slice %add3A_30 {offsets = [0, 0], sizes = [2000, 128], strides = [1, 1]} : vector<2000x384xf32> to vector<2000x128xf32>
    %add3A_32 = arith.addf %slice3A, %slice3A_31 : vector<2000x128xf32>
    %logistic3A = arith.negf %add3A_32 : vector<2000x128xf32>
    %logistic3A_33 = math.exp %logistic3A : vector<2000x128xf32>
    %logistic3A_34 = arith.constant 1.000000e+00 : f32
    %logistic3A_35 = vector.broadcast %logistic3A_34 : f32 to vector<2000x128xf32>
    %logistic3A_36 = arith.addf %logistic3A_35, %logistic3A_33 : vector<2000x128xf32>
    %logistic3A_37 = arith.divf %logistic3A_35, %logistic3A_36 : vector<2000x128xf32>
    %slice3A_38 = vector.extract_strided_slice %add3A_17 {offsets = [0, 128], sizes = [2000, 128], strides = [1, 1]} : vector<2000x384xf32> to vector<2000x128xf32>
    %slice3A_39 = vector.extract_strided_slice %add3A_30 {offsets = [0, 128], sizes = [2000, 128], strides = [1, 1]} : vector<2000x384xf32> to vector<2000x128xf32>
    %add3A_40 = arith.addf %slice3A_38, %slice3A_39 : vector<2000x128xf32>
    %logistic3A_41 = arith.negf %add3A_40 : vector<2000x128xf32>
    %logistic3A_42 = math.exp %logistic3A_41 : vector<2000x128xf32>
    %logistic3A_43 = arith.constant 1.000000e+00 : f32
    %logistic3A_44 = vector.broadcast %logistic3A_43 : f32 to vector<2000x128xf32>
    %logistic3A_45 = arith.addf %logistic3A_44, %logistic3A_42 : vector<2000x128xf32>
    %logistic3A_46 = arith.divf %logistic3A_44, %logistic3A_45 : vector<2000x128xf32>
    %slice3A_47 = vector.extract_strided_slice %add3A_17 {offsets = [0, 256], sizes = [2000, 128], strides = [1, 1]} : vector<2000x384xf32> to vector<2000x128xf32>
    %slice3A_48 = vector.extract_strided_slice %add3A_30 {offsets = [0, 256], sizes = [2000, 128], strides = [1, 1]} : vector<2000x384xf32> to vector<2000x128xf32>
    %mul3A = arith.mulf %logistic3A_37, %slice3A_48 : vector<2000x128xf32>
    %add3A_49 = arith.addf %slice3A_47, %mul3A : vector<2000x128xf32>
    %tanh3A = math.tanh %add3A_49 : vector<2000x128xf32>
    %sub3A = arith.constant 1.000000e+00 : f32
    %sub3A_50 = vector.broadcast %sub3A : f32 to vector<2000x128xf32>
    %sub3A_51 = arith.subf %sub3A_50, %logistic3A_46 : vector<2000x128xf32>
    %mul3A_52 = arith.mulf %sub3A_51, %tanh3A : vector<2000x128xf32>
    %get3A_53 = arith.constant 0 : index
    %get3A_54 = arith.constant 0 : index
    %get3A_55 = vector.load %arg2[%get3A_53, %get3A_54] : memref<2000x128xf32, #tpu.memory_space<vmem>>, vector<2000x128xf32>
    %mul3A_56 = arith.mulf %logistic3A_46, %get3A_55 : vector<2000x128xf32>
    %add3A_57 = arith.addf %mul3A_52, %mul3A_56 : vector<2000x128xf32>
    %get3A_58 = arith.constant 0 : index
    %get3A_59 = arith.constant 0 : index
    %get3A_60 = vector.load %arg3[%get3A_58, %get3A_59] : memref<2000x128xf32, #tpu.memory_space<vmem>>, vector<2000x128xf32>
    %get3A_61 = arith.constant 0 : index
    %get3A_62 = arith.constant 0 : index
    %get3A_63 = vector.load %arg8[%get3A_61, %get3A_62] : memref<128x128xf32, #tpu.memory_space<vmem>>, vector<128x128xf32>
    %dot_general3A_64 = arith.constant dense<0.000000e+00> : vector<2000x128xf32>
    %dot_general3A_65 = tpu.matmul %add3A_57, %get3A_63, %dot_general3A_64 {dimension_numbers = #tpu.dot_dimension_numbers<[1], [0], [0], [1], [0, 0, 1, 1], [], []>, transpose_lhs_hint = false} : vector<2000x128xf32>, vector<128x128xf32>, vector<2000x128xf32> -> vector<2000x128xf32>
    %get3A_66 = arith.constant 0 : index
    %get3A_67 = arith.constant 0 : index
    %get3A_68 = vector.load %arg9[%get3A_66, %get3A_67] : memref<128x128xf32, #tpu.memory_space<vmem>>, vector<128x128xf32>
    %dot_general3A_69 = arith.constant dense<0.000000e+00> : vector<2000x128xf32>
    %dot_general3A_70 = tpu.matmul %get3A_60, %get3A_68, %dot_general3A_69 {dimension_numbers = #tpu.dot_dimension_numbers<[1], [0], [0], [1], [0, 0, 1, 1], [], []>, transpose_lhs_hint = false} : vector<2000x128xf32>, vector<128x128xf32>, vector<2000x128xf32> -> vector<2000x128xf32>
    %add3A_71 = arith.addf %dot_general3A_65, %dot_general3A_70 : vector<2000x128xf32>
    %get3A_72 = arith.constant 0 : index
    %get3A_73 = arith.constant 0 : index
    %get3A_74 = vector.load %arg10[%get3A_72, %get3A_73] : memref<1x128xf32, #tpu.memory_space<vmem>>, vector<1x128xf32>
    %add3A_75 = vector.broadcast %get3A_74 : vector<1x128xf32> to vector<2000x128xf32>
    %add3A_76 = arith.addf %add3A_71, %add3A_75 : vector<2000x128xf32>
    %abs3A = math.absf %add3A_76 : vector<2000x128xf32>
    %add3A_77 = arith.constant 1.000000e+00 : f32
    %add3A_78 = vector.broadcast %add3A_77 : f32 to vector<2000x128xf32>
    %add3A_79 = arith.addf %add3A_78, %abs3A : vector<2000x128xf32>
    %div3A = arith.divf %add3A_76, %add3A_79 : vector<2000x128xf32>
    %get3A_80 = arith.constant 0 : index
    %get3A_81 = arith.constant 0 : index
    %get3A_82 = vector.load %arg11[%get3A_80, %get3A_81] : memref<128x64xf32, #tpu.memory_space<vmem>>, vector<128x64xf32>
    %dot_general3A_83 = arith.constant dense<0.000000e+00> : vector<2000x64xf32>
    %dot_general3A_84 = tpu.matmul %div3A, %get3A_82, %dot_general3A_83 {dimension_numbers = #tpu.dot_dimension_numbers<[1], [0], [0], [1], [0, 0, 1, 1], [], []>, transpose_lhs_hint = false} : vector<2000x128xf32>, vector<128x64xf32>, vector<2000x64xf32> -> vector<2000x64xf32>
    %get3A_85 = arith.constant 0 : index
    %get3A_86 = arith.constant 0 : index
    %get3A_87 = vector.load %arg12[%get3A_85, %get3A_86] : memref<1x64xf32, #tpu.memory_space<vmem>>, vector<1x64xf32>
    %add3A_88 = vector.broadcast %get3A_87 : vector<1x64xf32> to vector<2000x64xf32>
    %add3A_89 = arith.addf %dot_general3A_84, %add3A_88 : vector<2000x64xf32>
    %abs3A_90 = math.absf %add3A_89 : vector<2000x64xf32>
    %add3A_91 = arith.constant 1.000000e+00 : f32
    %add3A_92 = vector.broadcast %add3A_91 : f32 to vector<2000x64xf32>
    %add3A_93 = arith.addf %add3A_92, %abs3A_90 : vector<2000x64xf32>
    %div3A_94 = arith.divf %add3A_89, %add3A_93 : vector<2000x64xf32>
    %reduce_max3A = arith.constant dense<0xFF800000> : vector<2000xf32>
    %reduce_max3A_95 = vector.multi_reduction <maximumf>, %div3A_94, %reduce_max3A [1] : vector<2000x64xf32> to vector<2000xf32>
    %broadcast_in_dim3A = vector.shape_cast %reduce_max3A_95 : vector<2000xf32> to vector<2000x1xf32>
    %sub3A_96 = vector.broadcast %broadcast_in_dim3A : vector<2000x1xf32> to vector<2000x64xf32>
    %sub3A_97 = arith.subf %div3A_94, %sub3A_96 : vector<2000x64xf32>
    %exp3A = math.exp %sub3A_97 : vector<2000x64xf32>
    %reduce_sum3A = arith.constant dense<0.000000e+00> : vector<2000xf32>
    %reduce_sum3A_98 = vector.multi_reduction <add>, %exp3A, %reduce_sum3A [1] : vector<2000x64xf32> to vector<2000xf32>
    %broadcast_in_dim3A_99 = vector.shape_cast %reduce_sum3A_98 : vector<2000xf32> to vector<2000x1xf32>
    %div3A_100 = vector.broadcast %broadcast_in_dim3A_99 : vector<2000x1xf32> to vector<2000x64xf32>
    %div3A_101 = arith.divf %exp3A, %div3A_100 : vector<2000x64xf32>
    %get3A_102 = arith.constant 0 : index
    %get3A_103 = arith.constant 0 : index
    %get3A_104 = vector.load %arg13[%get3A_102, %get3A_103] : memref<128x64xf32, #tpu.memory_space<vmem>>, vector<128x64xf32>
    %dot_general3A_105 = arith.constant dense<0.000000e+00> : vector<2000x64xf32>
    %dot_general3A_106 = tpu.matmul %get3A_60, %get3A_104, %dot_general3A_105 {dimension_numbers = #tpu.dot_dimension_numbers<[1], [0], [0], [1], [0, 0, 1, 1], [], []>, transpose_lhs_hint = false} : vector<2000x128xf32>, vector<128x64xf32>, vector<2000x64xf32> -> vector<2000x64xf32>
    %get3A_107 = arith.constant 0 : index
    %get3A_108 = arith.constant 0 : index
    %get3A_109 = vector.load %arg14[%get3A_107, %get3A_108] : memref<1x64xf32, #tpu.memory_space<vmem>>, vector<1x64xf32>
    %add3A_110 = vector.broadcast %get3A_109 : vector<1x64xf32> to vector<2000x64xf32>
    %add3A_111 = arith.addf %dot_general3A_106, %add3A_110 : vector<2000x64xf32>
    %abs3A_112 = math.absf %add3A_111 : vector<2000x64xf32>
    %add3A_113 = arith.constant 1.000000e+00 : f32
    %add3A_114 = vector.broadcast %add3A_113 : f32 to vector<2000x64xf32>
    %add3A_115 = arith.addf %add3A_114, %abs3A_112 : vector<2000x64xf32>
    %div3A_116 = arith.divf %add3A_111, %add3A_115 : vector<2000x64xf32>
    %mul3A_117 = arith.mulf %div3A_101, %div3A_116 : vector<2000x64xf32>
    %swap3A = arith.constant 0 : index
    %swap3A_118 = arith.constant 0 : index
    %swap3A_119 = vector.load %arg15[%swap3A, %swap3A_118] : memref<2000x64xf32, #tpu.memory_space<vmem>>, vector<2000x64xf32>
    tpu.vector_store %arg15[%swap3A, %swap3A_118], %mul3A_117 {strides = array<i32>} : memref<2000x64xf32, #tpu.memory_space<vmem>>, vector<2000x64xf32>,
    return
  }
  func.func @transform_0(%arg0: i32) -> (i32, i32, i32) {
    %c0_i32 = arith.constant 0 : i32
    %c0_i32_0 = arith.constant 0 : i32
    %c0_i32_1 = arith.constant 0 : i32
    return %c0_i32, %arg0, %c0_i32_0 : i32, i32, i32
  }
  func.func @transform_1(%arg0: i32) -> (i32, i32) {
    %c0_i32 = arith.constant 0 : i32
    %c0_i32_0 = arith.constant 0 : i32
    return %arg0, %c0_i32 : i32, i32
  }
  func.func @transform_2(%arg0: i32) -> (i32, i32) {
    %c0_i32 = arith.constant 0 : i32
    %c0_i32_0 = arith.constant 0 : i32
    return %arg0, %c0_i32 : i32, i32
  }
  func.func @transform_3(%arg0: i32) -> (i32, i32) {
    %c0_i32 = arith.constant 0 : i32
    %c0_i32_0 = arith.constant 0 : i32
    %c0_i32_1 = arith.constant 0 : i32
    return %c0_i32, %c0_i32_0 : i32, i32
  }
  func.func @transform_4(%arg0: i32) -> (i32, i32) {
    %c0_i32 = arith.constant 0 : i32
    %c0_i32_0 = arith.constant 0 : i32
    %c0_i32_1 = arith.constant 0 : i32
    return %c0_i32, %c0_i32_0 : i32, i32
  }
  func.func @transform_5(%arg0: i32) -> (i32, i32) {
    %c0_i32 = arith.constant 0 : i32
    %c0_i32_0 = arith.constant 0 : i32
    %c0_i32_1 = arith.constant 0 : i32
    return %c0_i32, %c0_i32_0 : i32, i32
  }
  func.func @transform_6(%arg0: i32) -> (i32, i32) {
    %c0_i32 = arith.constant 0 : i32
    %c0_i32_0 = arith.constant 0 : i32
    %c0_i32_1 = arith.constant 0 : i32
    return %c0_i32, %c0_i32_0 : i32, i32
  }
  func.func @transform_7(%arg0: i32) -> (i32, i32) {
    %c0_i32 = arith.constant 0 : i32
    %c0_i32_0 = arith.constant 0 : i32
    %c0_i32_1 = arith.constant 0 : i32
    return %c0_i32, %c0_i32_0 : i32, i32
  }
  func.func @transform_8(%arg0: i32) -> (i32, i32) {
    %c0_i32 = arith.constant 0 : i32
    %c0_i32_0 = arith.constant 0 : i32
    %c0_i32_1 = arith.constant 0 : i32
    return %c0_i32, %c0_i32_0 : i32, i32
  }
  func.func @transform_9(%arg0: i32) -> (i32, i32) {
    %c0_i32 = arith.constant 0 : i32
    %c0_i32_0 = arith.constant 0 : i32
    %c0_i32_1 = arith.constant 0 : i32
    return %c0_i32, %c0_i32_0 : i32, i32
  }
  func.func @transform_10(%arg0: i32) -> (i32, i32) {
    %c0_i32 = arith.constant 0 : i32
    %c0_i32_0 = arith.constant 0 : i32
    %c0_i32_1 = arith.constant 0 : i32
    return %c0_i32, %c0_i32_0 : i32, i32
  }
  func.func @transform_11(%arg0: i32) -> (i32, i32) {
    %c0_i32 = arith.constant 0 : i32
    %c0_i32_0 = arith.constant 0 : i32
    %c0_i32_1 = arith.constant 0 : i32
    return %c0_i32, %c0_i32_0 : i32, i32
  }
  func.func @transform_12(%arg0: i32) -> (i32, i32) {
    %c0_i32 = arith.constant 0 : i32
    %c0_i32_0 = arith.constant 0 : i32
    %c0_i32_1 = arith.constant 0 : i32
    return %c0_i32, %c0_i32_0 : i32, i32
  }
  func.func @transform_13(%arg0: i32) -> (i32, i32) {
    %c0_i32 = arith.constant 0 : i32
    %c0_i32_0 = arith.constant 0 : i32
    %c0_i32_1 = arith.constant 0 : i32
    return %c0_i32, %c0_i32_0 : i32, i32
  }
  func.func @transform_14(%arg0: i32) -> (i32, i32) {
    %c0_i32 = arith.constant 0 : i32
    %c0_i32_0 = arith.constant 0 : i32
    return %arg0, %c0_i32 : i32, i32
  }
}

</mosaic_0001>

<sc_bundles>
// kernel: kernel.6.cloned.1.call-start
scs
__scs_entry_jumppad:
0x0: {  	(pc) =	sbr.rel $0x88, $3  }
0x1: {  	(tag) =	ssettag $0x0;
	lr =	simm.s32 $0x1  }
0x2: {  	[smem:$0x3F95] =	sst lr;
	_ =	strace $0xD0000000  }
0x3: {  	_ = 	snop  }
0x4: {  	_ = 	snop  }
0x5: {  	_ = 	snop  }
0x6: {  	_ = 	snop  }
0x7: {  	_ = 	snop  }
__scs_overlays_trampoline_lowered:
0x8: {  	[smem:$0x3FA4] =	sst s0  }
0x9: {  	[smem:$0x3FA5] =	sst s1  }
0xa: {  	[smem:$0x3FA6] =	sst s2  }
0xb: {  	[smem:$0x3FA7] =	sst s3  }
0xc: {  	[smem:$0x3FA8] =	sst s4  }
0xd: {  	[smem:$0x3FA9] =	sst s5  }
0xe: {  	[smem:$0x3FAA] =	sst s6  }
0xf: {  	[smem:$0x3FAB] =	sst s7  }
0x10: {  	[smem:$0x3FAC] =	sst s8  }
0x11: {  	[smem:$0x3FAD] =	sst s9;
	s0 =	simm.s32 @!p0 $0x0  }
0x12: {  	s1 =	sld [smem:$0x3F93];
	s0 =	simm.s32 @p0 $0x1  }
0x13: {  	[smem:$0x3FAE] =	sst s0;
	s0 =	simm.s32 @!p1 $0x0  }
0x14: {  	s2 =	sld [smem:$0x3F92];
	s0 =	simm.s32 @p1 $0x1  }
0x15: {  	[smem:$0x3FAF] =	sst s0;
	s0 =	simm.s32 @!p2 $0x0  }
0x16: {  	s3 =	sld [smem:$0x3FDB];
	s0 =	simm.s32 @p2 $0x1  }
0x17: {  	s4 =	simm.s32 $0x1BF5;
	[smem:$0x3FB1] =	sst s0  }
0x18: {  	s0 =	sld [smem:$0x3F94];
	_ =	swait.ge [sflag:s4], $0x0  }
0x19: {  	s7 =	sld [smem:$0x3F95]  }
0x1a: {  	s8 =	sadd.s32 $0xFFFFE003, lr  }
0x1b: {  	s9 =	sadd.s32 $0xFFFFFEF7, lr;
	s5 =	simm.s32 $0xFFFFFFFF;
	p2 =	slt.u32 s8, $0xFFFFF086  }
0x1c: {  	p1 =	slt.u32 s9, $0xF7A;
	s5 =	simm.s32 @!p2 $0x0  }
0x1d: {  	s5 =	simm.s32 @p1 $0x1;
	p0 =	seq.s32 s7, s2  }
0x1e: {  	s7 =	smul.u32 @!p0 $0xF7A, s2;
	p2 =	seq.s32 @!p0 s5, $0x0  }
0x1f: {  	s9 =	smul.u32 $0xF7A, s1;
	s8 =	simm.s32 @!p0 $0x1BF5;
	p2 =	por !p2, p0  }
0x20: {  	[sflag:s8] =	ssyncset.s32 @!p0 $0xFFFFF086;
	s6 =	sadd.s32 @!p0 s3, s7;
	s7 =	simm.s32 @!p0 $0x108  }
0x21: {  	s3 =	sadd.s32 s3, s9;
	s6 =	sadd.s32 @!p0 $0x88, s6;
	s7 =	simm.s32 @p2 $0x1082  }
0x22: {  	[simem:s7], [sflag:s8] =	dma.local @!p0 [hbm:s6], $0xF7A  }
0x23: {  	s9 =	sor.u32 $0xD0000000, s2;
	s6 =	simm.s32 $0x108;
	_ =	swait.ge @!p0 [sflag:s8], $0x0  }
0x24: {  	s3 =	sadd.s32 $0x88, s3;
	s6 =	simm.s32 @!p1 $0x1082;
	[sflag:s4] =	ssyncset.s32 $0xFFFFF086  }
0x25: {  	[simem:s6], [sflag:s4] =	dma.local [hbm:s3], $0xF7A  }
0x26: {  	[smem:$0x3F95] =	sst s1;
	(tag) =	ssettag s2;
	_ =	strace s9  }
0x27: {  	s1 =	sld [smem:$0x3FA5]  }
0x28: {  	s2 =	sld [smem:$0x3FA6]  }
0x29: {  	s4 =	sld [smem:$0x3FA8]  }
0x2a: {  	p0 =	seq.s32 s5, $0x0;
	s5 =	sld [smem:$0x3FA9]  }
0x2b: {  	s6 =	sld [smem:$0x3FAA]  }
0x2c: {  	s7 =	sld [smem:$0x3FAB]  }
0x2d: {  	s3 =	simm.s32 $0x108;
	s8 =	sld [smem:$0x3FAC]  }
0x2e: {  	s3 =	simm.s32 @!p0 $0x1082;
	s9 =	sld [smem:$0x3FAD]  }
0x2f: {  	lr =	sadd.s32 s0, s3;
	s0 =	sld [smem:$0x3FA4]  }
0x30: {  	s3 =	sld [smem:$0x3FA7]  }
0x31: {  	[smem:$0x3FB0] =	sst s10  }
0x32: {  	s10 =	sld [smem:$0x3FAE];
	_ =	sdelay $0x3  }
0x33: {  	p0 =	seq.s32 s10, $0x1;
	s10 =	sld [smem:$0x3FB0];
	_ =	sdelay $0x3  }
0x34: {  	[smem:$0x3FB0] =	sst s10  }
0x35: {  	s10 =	sld [smem:$0x3FAF];
	_ =	sdelay $0x3  }
0x36: {  	p1 =	seq.s32 s10, $0x1;
	s10 =	sld [smem:$0x3FB0];
	_ =	sdelay $0x3  }
0x37: {  	[smem:$0x3FB0] =	sst s10  }
0x38: {  	s10 =	sld [smem:$0x3FB1]  }
0x39: {  	_ = 	snop;
	(pc) =	sbr.ind lr, $3  }
0x3a: {  	_ = 	snop  }
0x3b: {  	_ = 	snop  }
0x3c: {  	p2 =	seq.s32 s10, $0x1;
	s10 =	sld [smem:$0x3FB0]  }
0x3d: {  	_ =	shalt  }
0x3e: {  	_ =	shalt  }
0x3f: {  	_ =	shalt  }
0x40: {  	_ =	shalt  }
0x41: {  	_ =	shalt  }
0x42: {  	_ =	shalt  }
0x43: {  	_ =	shalt  }
0x44: {  	_ =	shalt  }
0x45: {  	_ =	shalt  }
0x46: {  	_ =	shalt  }
0x47: {  	_ =	shalt  }
0x48: {  	_ =	shalt  }
0x49: {  	_ =	shalt  }
0x4a: {  	_ =	shalt  }
0x4b: {  	_ =	shalt  }
0x4c: {  	_ =	shalt  }
0x4d: {  	_ =	shalt  }
0x4e: {  	_ =	shalt  }
0x4f: {  	_ =	shalt  }
0x50: {  	_ =	shalt  }
0x51: {  	_ =	shalt  }
0x52: {  	_ =	shalt  }
0x53: {  	_ =	shalt  }
0x54: {  	_ =	shalt  }
0x55: {  	_ =	shalt  }
0x56: {  	_ =	shalt  }
0x57: {  	_ =	shalt  }
0x58: {  	_ =	shalt  }
0x59: {  	_ =	shalt  }
0x5a: {  	_ =	shalt  }
0x5b: {  	_ =	shalt  }
0x5c: {  	_ =	shalt  }
0x5d: {  	_ =	shalt  }
0x5e: {  	_ =	shalt  }
0x5f: {  	_ =	shalt  }
0x60: {  	_ =	shalt  }
0x61: {  	_ =	shalt  }
0x62: {  	_ =	shalt  }
0x63: {  	_ =	shalt  }
0x64: {  	_ =	shalt  }
0x65: {  	_ =	shalt  }
0x66: {  	_ =	shalt  }
0x67: {  	_ =	shalt  }
0x68: {  	_ =	shalt  }
0x69: {  	_ =	shalt  }
0x6a: {  	_ =	shalt  }
0x6b: {  	_ =	shalt  }
0x6c: {  	_ =	shalt  }
0x6d: {  	_ =	shalt  }
0x6e: {  	_ =	shalt  }
0x6f: {  	_ =	shalt  }
0x70: {  	_ =	shalt  }
0x71: {  	_ =	shalt  }
0x72: {  	_ =	shalt  }
0x73: {  	_ =	shalt  }
0x74: {  	_ =	shalt  }
0x75: {  	_ =	shalt  }
0x76: {  	_ =	shalt  }
0x77: {  	_ =	shalt  }
0x78: {  	_ =	shalt  }
0x79: {  	_ =	shalt  }
0x7a: {  	_ =	shalt  }
0x7b: {  	_ =	shalt  }
0x7c: {  	_ =	shalt  }
0x7d: {  	_ =	shalt  }
0x7e: {  	_ =	shalt  }
0x7f: {  	_ =	shalt  }
0x80: {  	_ =	shalt  }
0x81: {  	_ =	shalt  }
0x82: {  	_ =	shalt  }
0x83: {  	_ =	shalt  }
0x84: {  	_ =	shalt  }
0x85: {  	_ =	shalt  }
0x86: {  	_ =	shalt  }
0x87: {  	_ =	shalt  }
.Lfunc_end0:
.L_simem_size_0:
called_computation_lowered:
.L_overlay_start_0:
0x88: {  	s2 =	sld [smem:$0x3FD9]  }
0x89: {  	s3 =	sld [smem:$0x3FFE];
	_ =	sdelay $0x1  }
0x8a: {  	s1 =	srdreg.scid  }
0x8b: {  	s0 =	sand.u32 $0x1, s1  }
0x8c: {  	s17 =	sshll.u32 s0, $0xA;
	s2 =	sadd.s32 s3, s2  }
0x8d: {  	s2 =	sadd.s32 s2, s17  }
0x8e: {  	[smem:$0x3FBC] =	sst s2  }
0x8f: {  	_ = 	snop  }
0x90: {  	s2 =	sld [smem:$0x3FC9]  }
0x91: {  	s18 =	sld [smem:$0x3FD0];
	(tm) =	ssettm $0x1  }
0x92: {  	s4 =	sld [smem:$0x3FFB];
	_ =	sdelay $0x3  }
0x93: {  	_ =	strace s4  }
0x94: {  	s4 =	sld [smem:$0x3FFC];
	_ =	sdelay $0x3  }
0x95: {  	_ =	strace s4  }
0x96: {  	s4 =	sld [smem:$0x3FFD];
	_ =	sdelay $0x3  }
0x97: {  	_ =	strace s4  }
0x98: {  	_ =	strace $0x8FFFFFFF  }
0x99: {  	s19 =	sld [smem:$0x3FDB];
	_ =	sdelay $0x1  }
0x9a: {  	s5 =	simm.s32 $_scs_section_size  }
0x9b: {  	s6 =	simm.s32 $_size__tile_overlayer_lowered;
	s7 =	simm.s32 $_tile_overlayer_lowered  }
0x9c: {  	s22 =	simm.s32 $0x1BFF;
	s21 =	sshll.u32 s7, $0x1;
	s4 =	sadd.s32 s5, s19  }
0x9d: {  	s8 =	simm.s32 $0x0;
	s20 =	sshll.u32 s6, $0x1;
	s6 =	sadd.s32 s21, s4  }
0x9e: {  	[timem:s8], [sflag:s22] =	dma.local [hbm:s6], s20  }
0x9f: {  	_ =	swait.ge [sflag:s22], s20  }
0xa0: {  	s5 =	ssub.s32 $0x0, s20;
	[sflag:s22] =	ssyncset.done $0x0  }
0xa1: {  	[sflag:s22] =	ssyncadd.s32 s5;
	_ =	sdelay $0x1  }
0xa2: {  	s23 =	simm.s32 $0x1B8B  }
0xa3: {  	_ =	swait.ge [sflag:s23], $0x1  }
0xa4: {  	[sflag:s23] =	ssyncset.done $0x0  }
0xa5: {  	s25 =	simm.s32 $0x1B8E;
	s24 =	sld [smem:$0x3FFE];
	[sflag:s23] =	ssyncadd.s32 $0xFFFFFFFF  }
0xa6: {  	s26 =	simm.s32 $execute0_lowered;
	[smem:$0x3FD2] =	sst s25  }
0xa7: {  	s6 =	sshll.u32 s26, $0x1;
	_ =	strace $0x80000046;
	[dreg:$0x1] =	wrdreg $0xFFFFFFFF  }
0xa8: {  	s28 =	simm.s32 $_size_execute0_lowered;
	s4 =	sadd.s32 s4, s6;
	[dreg:$0x0] =	wrdreg $0x0  }
0xa9: {  	s6 =	sshll.u32 s28, $0x1;
	[dreg:$0x2] =	wrdreg s4  }
0xaa: {  	[dreg:$0x3] =	wrdreg s6  }
0xab: {  	[dreg:$0x4] =	wrdreg $0xC0  }
0xac: {  	_ =	task [dreg:s8], $0x5FFFF  }
0xad: {  	[dreg:$0x1] =	wrdreg $0xFFFFFFFF  }
0xae: {  	[dreg:$0x0] =	wrdreg $0x60  }
0xaf: {  	[dreg:$0x2] =	wrdreg s2  }
0xb0: {  	[dreg:$0x3] =	wrdreg s18  }
0xb1: {  	[dreg:$0x4] =	wrdreg s24  }
0xb2: {  	[dreg:$0x5] =	wrdreg $0xA8000  }
0xb3: {  	[dreg:$0x6] =	wrdreg $0x9  }
0xb4: {  	_ =	task.clear_ibuf [dreg:s8], $0x7FFFF;
	_ =	strace $0x90000046  }
0xb5: {  	s29 =	simm.s32 $0x9;
	_ =	strace $0x80000048  }
0xb6: {  	_ =	swait.ge [sflag:s29], $0x1  }
0xb7: {  	[sflag:s29] =	ssyncadd.s32 $0xFFFFFFFF  }
0xb8: {  	_ =	strace $0x90000048  }
0xb9: {  	_ =	sfence  }
0xba: {  	s30 =	sld [smem:$0x0];
	_ =	sdelay $0x2  }
0xbb: {  	s31 =	sshll.u32 s1, $0xD;
	s1 =	sshrl.u32 s1, $0x2  }
0xbc: {  	s3 =	sand.u32 $0x4000, s31;
	s1 =	sadd.s32 s1, s30  }
0xbd: {  	s0 =	sor.u32 s3, s0;
	s1 =	sshll.u32 s1, $0x11  }
0xbe: {  	s0 =	sor.u32 s1, s0  }
0xbf: {  	s0 =	sadd.s32 $0x8F2B, s0  }
0xc0: {  	[sflag:s0] =	ssyncadd.remote.s32 $0x1  }
0xc1: {  	_ =	sfence.sel $0xFFFF  }
0xc2: {  	[dreg:$0x0] =	wrdreg $0xFFFFFFFF;
	(pc) =	sbr.abs _section_cstart, $3  }
0xc3: {  	[dreg:$0x1] =	wrdreg $0xFFFFFFFF  }
0xc4: {  	_ =	task.clear_ibuf [dreg:s8], $0x2FFFF;
	_ =	strace $0x9FFFFFFF  }
0xc5: {  	(tm) =	ssettm $0x7FFFFFFF  }
tec
execute0_lowered:
.L_overlay_start_1:
0x0: {  	(tag) =	ssettag $0x1  }
0x1: {  	s1 =	rddreg [dreg:$0x0]  }
0x2: {  	s9 =	rddreg [dreg:$0x1]  }
0x3: {  	s5 =	rddreg [dreg:$0x2]  }
0x4: {  	s3 =	rddreg [dreg:$0x3]  }
0x5: {  	s0 =	rddreg [dreg:$0x4]  }
0x6: {  	s2 =	stileid.u32;
	s6 =	srdreg.scid;
	s4 =	simm.s32 $0x0  }
0x7: {  	s17 =	simm.s32 $0x2800;
	s18 =	simm.s32 $0x1;
	s19 =	simm.s32 $0x6800  }
0x8: {  	s20 =	simm.s32 $0x2;
	s21 =	simm.s32 $0x1380;
	s22 =	simm.s32 $0x2700  }
0x9: {  	s23 =	simm.s32 $0x2780;
	s24 =	simm.s32 $0x0;
	s7 =	smul.u32 $0x14000, s2  }
0xa: {  	s6 =	sand.u32 $0x1, s6;
	[smem:$0x7FF] =	sst s4;
	s11 =	sadd.s32 $0x2400, s5  }
0xb: {  	s25 =	smul.u32 $0x50000, s2;
	s12 =	sshll.u32 s2, $0x2;
	s28 =	sshll.u32 s2, $0x6  }
0xc: {  	s8 =	smul.u32 $0x140000, s6;
	_ =	strace $0x80000047;
	s13 =	sshll.u32 s6, $0x1  }
0xd: {  	s6 =	ssub.s32 $0x2, s6;
	s10 =	sshrl.u32 s7, $0x3;
	s12 =	sor.u32 s13, s12  }
0xe: {  	s26 =	sshrl.u32 s6, $0x1;
	s10 =	sadd.s32 s10, s5;
	s7 =	sadd.s32 s7, s8  }
0xf: {  	s8 =	sshrl.u32 s25, $0x2;
	s14 =	smul.u32 $0x1400, s12;
	s13 =	ssub.s32 s6, s26  }
0x10: {  	s29 =	smul.u32 $0x280, s12;
	s6 =	sor.u32 $0x1C03, s28;
	s7 =	sshrl.u32 s7, $0x3  }
0x11: {  	s16 =	sadd.s32 s8, s3;
	s12 =	smax.u32 s13, $0x1;
	s15 =	sadd.s32 s7, s5  }
0x12: {  	s30 =	sshrl.u32 s14, $0x3;
	s5 =	sadd.s32 $0xC400, s10;
	s7 =	sadd.s32 s9, s29  }
0x13: {  	s8 =	sadd.s32 s11, s29;
	s13 =	sshrl.u32 s16, $0x3;
	s31 =	sadd.s32 $0x280, s30  }
0x14: {  	s14 =	simm.s32 $0x3;
	s16 =	simm.s32 $0x7D;
	s9 =	sadd.s32 s9, s31  }
0x15: {  	s10 =	sadd.s32 s11, s31;
	s11 =	sadd.s32 $0x34400, s15;
	s15 =	simm.s32 $0x1400  }
.LBB2_1:
0x16: {  	[spmem:s13], [sflag:s6] =	dma.local [hbm:s5], $0x2800  }
0x17: {  	_ =	swait.ge [sflag:s14], $0x2800  }
0x18: {  	[sflag:s14] =	ssyncset.done $0x0  }
0x19: {  	[sflag:s14] =	ssyncadd.s32 $0xFFFFD800  }
0x1a: {  	[bflag:$0x0] =	sbarrier.arrive $0xFFFF  }
0x1b: {  	[tilespmem:s4], [sflag:$0x3] =	stream.linear.gather [hbm4b:s7+s4], $0x1400, $0x38;
	[tilespmem:$0x1E800] =	vst v63  }
0x1c: {  	_ =	swait.ge [sflag:s14], $0x1400  }
0x1d: {  	[sflag:s14] =	ssyncset.done $0x0  }
0x1e: {  	[sflag:s14] =	ssyncadd.s32 $0xFFFFEC00  }
0x1f: {  	[tilespmem:s15], [sflag:$0x3] =	stream.linear.gather [hbm4b:s8+s4], $0x1400, $0x38;
	[tilespmem:$0x1E800] =	vst v63  }
0x20: {  	_ =	swait.ge [sflag:s14], $0x1400  }
0x21: {  	[sflag:s14] =	ssyncset.done $0x0  }
0x22: {  	[sflag:s14] =	ssyncadd.s32 $0xFFFFEC00  }
0x23: {  	[tilespmem:s17], [sflag:$0x1] =	stream.indirect.gather [hbm4b:s1+s16], $0x80, s4, s16, $0xb8;
	[tilespmem:$0x1E800] =	vst v63  }
0x24: {  	_ =	swait.ge [sflag:s18], $0x3E80  }
0x25: {  	[sflag:s18] =	ssyncset.done $0x0  }
0x26: {  	s25 =	simm.s32 $0x80;
	[sflag:s18] =	ssyncadd.s32 $0xFFFFC180  }
0x27: {  	[tilespmem:s19], [sflag:$0x2] =	stream.indirect.gather [hbm4b:s1+s16], $0x80, s25, s16, $0xb8;
	[tilespmem:$0x1E800] =	vst v63  }
0x28: {  	s29 =	simm.s32 $0x1400  }
0x29: {  	[spmem:s3] =	stream.indirect.scatter.add.f32 [tilespmem:s17], [sflag:$0x3], $0x80, s29, s16, $0xb8;
	[tilespmem:$0x1E800] =	vst v63  }
0x2a: {  	_ =	swait.ge [sflag:s14], $0x3E80  }
0x2b: {  	[sflag:s14] =	ssyncset.done $0x0  }
0x2c: {  	[sflag:s14] =	ssyncadd.s32 $0xFFFFC180  }
0x2d: {  	_ =	swait.ge [sflag:s20], $0x3E80  }
0x2e: {  	[sflag:s20] =	ssyncset.done $0x0  }
0x2f: {  	s30 =	simm.s32 $0x100;
	[sflag:s20] =	ssyncadd.s32 $0xFFFFC180  }
0x30: {  	[tilespmem:s17], [sflag:$0x1] =	stream.indirect.gather [hbm4b:s1+s16], $0x80, s30, s16, $0xb8;
	[tilespmem:$0x1E800] =	vst v63  }
0x31: {  	s31 =	simm.s32 $0x1480  }
0x32: {  	[spmem:s3] =	stream.indirect.scatter.add.f32 [tilespmem:s19], [sflag:$0x3], $0x80, s31, s16, $0xb8;
	[tilespmem:$0x1E800] =	vst v63  }
0x33: {  	_ =	swait.ge [sflag:s14], $0x3E80  }
0x34: {  	s25 =	simm.s32 $0x400;
	[sflag:s14] =	ssyncset.done $0x0  }
.LBB2_2:
0x35: {  	p0 =	sne.s32 s25, $0x4800  }
0x36: {  	[sflag:s14] =	ssyncadd.s32 $0xFFFFC180;
	s26 =	smov.u32 s25;
	s25 =	sadd.s32 $0x400, s25  }
0x37: {  	_ = 	snop  }
0x38: {  	_ =	swait.ge [sflag:s18], $0x3E80  }
0x39: {  	s26 =	sshra.s32 s26, $0x2;
	[sflag:s18] =	ssyncset.done $0x0  }
0x3a: {  	s28 =	sadd.s32 $0x80, s26;
	[sflag:s18] =	ssyncadd.s32 $0xFFFFC180  }
0x3b: {  	[tilespmem:s19], [sflag:$0x2] =	stream.indirect.gather [hbm4b:s1+s16], $0x80, s28, s16, $0xb8;
	[tilespmem:$0x1E800] =	vst v63  }
0x3c: {  	s28 =	sadd.s32 $0x1400, s26  }
0x3d: {  	[spmem:s3] =	stream.indirect.scatter.add.f32 [tilespmem:s17], [sflag:$0x3], $0x80, s28, s16, $0xb8;
	[tilespmem:$0x1E800] =	vst v63  }
0x3e: {  	_ =	swait.ge [sflag:s14], $0x3E80  }
0x3f: {  	[sflag:s14] =	ssyncset.done $0x0  }
0x40: {  	[sflag:s14] =	ssyncadd.s32 $0xFFFFC180  }
0x41: {  	_ =	swait.ge [sflag:s20], $0x3E80  }
0x42: {  	[sflag:s20] =	ssyncset.done $0x0  }
0x43: {  	s28 =	sadd.s32 $0x100, s26;
	[sflag:s20] =	ssyncadd.s32 $0xFFFFC180  }
0x44: {  	[tilespmem:s17], [sflag:$0x1] =	stream.indirect.gather [hbm4b:s1+s16], $0x80, s28, s16, $0xb8;
	[tilespmem:$0x1E800] =	vst v63  }
.Ltmp0:
0x45: {  	_ = 	snop;
	(pc) =	sbr.rel @p0 .LBB2_2-.Ltmp0, $4  }
0x46: {  	s26 =	sadd.s32 $0x1480, s26  }
0x47: {  	[spmem:s3] =	stream.indirect.scatter.add.f32 [tilespmem:s19], [sflag:$0x3], $0x80, s26, s16, $0xb8;
	[tilespmem:$0x1E800] =	vst v63  }
0x48: {  	_ =	swait.ge [sflag:s14], $0x3E80  }
0x49: {  	[sflag:s14] =	ssyncset.done $0x0  }
0x4a: {  	[sflag:s14] =	ssyncadd.s32 $0xFFFFC180  }
0x4b: {  	_ =	swait.ge [sflag:s18], $0x3E80  }
0x4c: {  	[sflag:s18] =	ssyncset.done $0x0  }
0x4d: {  	[sflag:s18] =	ssyncadd.s32 $0xFFFFC180  }
0x4e: {  	[tilespmem:s19], [sflag:$0x2] =	stream.indirect.gather [hbm4b:s1+s16], $0x80, s21, s16, $0xb8;
	[tilespmem:$0x1E800] =	vst v63  }
0x4f: {  	_ = 	snop  }
0x50: {  	[spmem:s3] =	stream.indirect.scatter.add.f32 [tilespmem:s17], [sflag:$0x3], $0x80, s22, s16, $0xb8;
	[tilespmem:$0x1E800] =	vst v63  }
0x51: {  	_ =	swait.ge [sflag:s14], $0x3E80  }
0x52: {  	[sflag:s14] =	ssyncset.done $0x0  }
0x53: {  	[sflag:s14] =	ssyncadd.s32 $0xFFFFC180  }
0x54: {  	_ =	swait.ge [sflag:s20], $0x3E80  }
0x55: {  	[sflag:s20] =	ssyncset.done $0x0  }
0x56: {  	[sflag:s20] =	ssyncadd.s32 $0xFFFFC180  }
0x57: {  	[spmem:s3] =	stream.indirect.scatter.add.f32 [tilespmem:s19], [sflag:$0x3], $0x80, s23, s16, $0xb8;
	[tilespmem:$0x1E800] =	vst v63  }
0x58: {  	_ =	swait.ge [sflag:s14], $0x3E80  }
0x59: {  	[sflag:s14] =	ssyncset.done $0x0  }
0x5a: {  	s25 =	simm.s32 $0x0;
	[sflag:s14] =	ssyncadd.s32 $0xFFFFC180  }
0x5b: {  	[tilespmem:s25], [sflag:$0x3] =	stream.linear.gather [hbm4b:s9+s25], $0x1400, $0x38;
	[tilespmem:$0x1E800] =	vst v63  }
0x5c: {  	_ =	swait.ge [sflag:s14], $0x1400  }
0x5d: {  	[sflag:s14] =	ssyncset.done $0x0  }
0x5e: {  	[sflag:s14] =	ssyncadd.s32 $0xFFFFEC00  }
0x5f: {  	[tilespmem:s15], [sflag:$0x3] =	stream.linear.gather [hbm4b:s10+s25], $0x1400, $0x38;
	[tilespmem:$0x1E800] =	vst v63  }
0x60: {  	_ =	swait.ge [sflag:s14], $0x1400  }
0x61: {  	[sflag:s14] =	ssyncset.done $0x0  }
0x62: {  	[sflag:s14] =	ssyncadd.s32 $0xFFFFEC00  }
0x63: {  	[tilespmem:s17], [sflag:$0x1] =	stream.indirect.gather [hbm4b:s1+s16], $0x80, s25, s16, $0xb8;
	[tilespmem:$0x1E800] =	vst v63  }
0x64: {  	_ =	swait.ge [sflag:s18], $0x3E80  }
0x65: {  	[sflag:s18] =	ssyncset.done $0x0  }
0x66: {  	s28 =	simm.s32 $0x80;
	[sflag:s18] =	ssyncadd.s32 $0xFFFFC180  }
0x67: {  	[tilespmem:s19], [sflag:$0x2] =	stream.indirect.gather [hbm4b:s1+s16], $0x80, s28, s16, $0xb8;
	[tilespmem:$0x1E800] =	vst v63  }
0x68: {  	s29 =	simm.s32 $0x1400  }
0x69: {  	[spmem:s3] =	stream.indirect.scatter.add.f32 [tilespmem:s17], [sflag:$0x3], $0x80, s29, s16, $0xb8;
	[tilespmem:$0x1E800] =	vst v63  }
0x6a: {  	_ =	swait.ge [sflag:s14], $0x3E80  }
0x6b: {  	[sflag:s14] =	ssyncset.done $0x0  }
0x6c: {  	[sflag:s14] =	ssyncadd.s32 $0xFFFFC180  }
0x6d: {  	_ =	swait.ge [sflag:s20], $0x3E80  }
0x6e: {  	[sflag:s20] =	ssyncset.done $0x0  }
0x6f: {  	s30 =	simm.s32 $0x100;
	[sflag:s20] =	ssyncadd.s32 $0xFFFFC180  }
0x70: {  	[tilespmem:s17], [sflag:$0x1] =	stream.indirect.gather [hbm4b:s1+s16], $0x80, s30, s16, $0xb8;
	[tilespmem:$0x1E800] =	vst v63  }
0x71: {  	s31 =	simm.s32 $0x1480  }
0x72: {  	[spmem:s3] =	stream.indirect.scatter.add.f32 [tilespmem:s19], [sflag:$0x3], $0x80, s31, s16, $0xb8;
	[tilespmem:$0x1E800] =	vst v63  }
0x73: {  	_ =	swait.ge [sflag:s14], $0x3E80  }
0x74: {  	s25 =	simm.s32 $0x400;
	[sflag:s14] =	ssyncset.done $0x0  }
.LBB2_4:
0x75: {  	p0 =	sne.s32 s25, $0x4800  }
0x76: {  	[sflag:s14] =	ssyncadd.s32 $0xFFFFC180;
	s26 =	smov.u32 s25;
	s25 =	sadd.s32 $0x400, s25  }
0x77: {  	_ = 	snop  }
0x78: {  	_ =	swait.ge [sflag:s18], $0x3E80  }
0x79: {  	s26 =	sshra.s32 s26, $0x2;
	[sflag:s18] =	ssyncset.done $0x0  }
0x7a: {  	s28 =	sadd.s32 $0x80, s26;
	[sflag:s18] =	ssyncadd.s32 $0xFFFFC180  }
0x7b: {  	[tilespmem:s19], [sflag:$0x2] =	stream.indirect.gather [hbm4b:s1+s16], $0x80, s28, s16, $0xb8;
	[tilespmem:$0x1E800] =	vst v63  }
0x7c: {  	s28 =	sadd.s32 $0x1400, s26  }
0x7d: {  	[spmem:s3] =	stream.indirect.scatter.add.f32 [tilespmem:s17], [sflag:$0x3], $0x80, s28, s16, $0xb8;
	[tilespmem:$0x1E800] =	vst v63  }
0x7e: {  	_ =	swait.ge [sflag:s14], $0x3E80  }
0x7f: {  	[sflag:s14] =	ssyncset.done $0x0  }
0x80: {  	[sflag:s14] =	ssyncadd.s32 $0xFFFFC180  }
0x81: {  	_ =	swait.ge [sflag:s20], $0x3E80  }
0x82: {  	[sflag:s20] =	ssyncset.done $0x0  }
0x83: {  	s28 =	sadd.s32 $0x100, s26;
	[sflag:s20] =	ssyncadd.s32 $0xFFFFC180  }
0x84: {  	[tilespmem:s17], [sflag:$0x1] =	stream.indirect.gather [hbm4b:s1+s16], $0x80, s28, s16, $0xb8;
	[tilespmem:$0x1E800] =	vst v63  }
.Ltmp1:
0x85: {  	_ = 	snop;
	(pc) =	sbr.rel @p0 .LBB2_4-.Ltmp1, $4  }
0x86: {  	s26 =	sadd.s32 $0x1480, s26  }
0x87: {  	[spmem:s3] =	stream.indirect.scatter.add.f32 [tilespmem:s19], [sflag:$0x3], $0x80, s26, s16, $0xb8;
	[tilespmem:$0x1E800] =	vst v63  }
0x88: {  	_ =	swait.ge [sflag:s14], $0x3E80  }
0x89: {  	[sflag:s14] =	ssyncset.done $0x0  }
0x8a: {  	[sflag:s14] =	ssyncadd.s32 $0xFFFFC180  }
0x8b: {  	_ =	swait.ge [sflag:s18], $0x3E80  }
0x8c: {  	[sflag:s18] =	ssyncset.done $0x0  }
0x8d: {  	[sflag:s18] =	ssyncadd.s32 $0xFFFFC180  }
0x8e: {  	[tilespmem:s19], [sflag:$0x2] =	stream.indirect.gather [hbm4b:s1+s16], $0x80, s21, s16, $0xb8;
	[tilespmem:$0x1E800] =	vst v63  }
0x8f: {  	_ = 	snop  }
0x90: {  	[spmem:s3] =	stream.indirect.scatter.add.f32 [tilespmem:s17], [sflag:$0x3], $0x80, s22, s16, $0xb8;
	[tilespmem:$0x1E800] =	vst v63  }
0x91: {  	_ =	swait.ge [sflag:s14], $0x3E80  }
0x92: {  	[sflag:s14] =	ssyncset.done $0x0  }
0x93: {  	[sflag:s14] =	ssyncadd.s32 $0xFFFFC180  }
0x94: {  	_ =	swait.ge [sflag:s20], $0x3E80  }
0x95: {  	[sflag:s20] =	ssyncset.done $0x0  }
0x96: {  	[sflag:s20] =	ssyncadd.s32 $0xFFFFC180  }
0x97: {  	[spmem:s3] =	stream.indirect.scatter.add.f32 [tilespmem:s19], [sflag:$0x3], $0x80, s23, s16, $0xb8;
	[tilespmem:$0x1E800] =	vst v63  }
0x98: {  	_ =	swait.ge [sflag:s14], $0x3E80  }
0x99: {  	s24 =	sadd.s32 $0x1, s24;
	[sflag:s14] =	ssyncset.done $0x0  }
0x9a: {  	p0 =	sne.s32 s24, s12;
	[sflag:s14] =	ssyncadd.s32 $0xFFFFC180  }
.Ltmp2:
0x9b: {  	[bflag:$0x0] =	sbarrier.arrive $0xFFFF;
	(pc) =	sbr.rel @p0 .LBB2_1-.Ltmp2, $4  }
0x9c: {  	[hbm:s11], [sflag:s6] =	dma.local [spmem:s13], $0x2800  }
0x9d: {  	_ =	swait.ge [sflag:s14], $0x2800  }
0x9e: {  	[sflag:s14] =	ssyncset.done $0x0  }
0x9f: {  	[sflag:s14] =	ssyncadd.s32 $0xFFFFD800  }
0xa0: {  	_ =	sfence.sel $0x180000  }
0xa1: {  	[bflag:$0x0] =	sbarrier.arrive $0xFFFF  }
0xa2: {  	p0 =	sne.s32 s2, $0x0;
	_ =	strace $0x90000047  }
0xa3: {  	s0 =	sadd.s32 @!p0 $0x100000, s0;
	[bflag:$0x2] =	sbarrier.arrive $0xFFFF  }
0xa4: {  	[sflag:s0] =	ssyncadd.tile.s32 @!p0 $0x1;
	_ =	shalt  }
.Lfunc_end2:
_tile_overlayer_lowered:
.L_overlay_start_2:
0xa5: {  	(tag) =	ssettag $0x2  }
0xa6: {  	s0 =	rddreg [dreg:$0x0];
	s2 =	stileid.u32  }
0xa7: {  	s1 =	rddreg [dreg:$0x1];
	p0 =	sne.s32 s2, $0x0  }
0xa8: {  	s3 =	rddreg [dreg:$0x2];
	[bflag:$0x3] =	sbarrier.arrive $0xFFFF;
	s2 =	simm.s32 @!p0 $0x1C03  }
0xa9: {  	[timem:s3], [sflag:s2] =	dma.local @!p0 [hbm:s0], s1  }
0xaa: {  	s0 =	simm.s32 @!p0 $0x3  }
0xab: {  	_ =	swait.ge @!p0 [sflag:s0], s1  }
0xac: {  	s1 =	ssub.s32 @!p0 $0x0, s1;
	[sflag:s0] =	ssyncset.done @!p0 $0x0  }
0xad: {  	[sflag:s0] =	ssyncadd.s32 @!p0 s1  }
0xae: {  	[bflag:$0x3] =	sbarrier.arrive $0xFFFF  }
0xaf: {  	_ =	shalt  }

// kernel: kernel.9.cloned.1.call-start
scs
__scs_entry_jumppad:
0x0: {  	(pc) =	sbr.rel $0x88, $3  }
0x1: {  	(tag) =	ssettag $0x0;
	lr =	simm.s32 $0x1  }
0x2: {  	[smem:$0x3F95] =	sst lr;
	_ =	strace $0xD0000000  }
0x3: {  	_ = 	snop  }
0x4: {  	_ = 	snop  }
0x5: {  	_ = 	snop  }
0x6: {  	_ = 	snop  }
0x7: {  	_ = 	snop  }
__scs_overlays_trampoline_lowered:
0x8: {  	[smem:$0x3FA4] =	sst s0  }
0x9: {  	[smem:$0x3FA5] =	sst s1  }
0xa: {  	[smem:$0x3FA6] =	sst s2  }
0xb: {  	[smem:$0x3FA7] =	sst s3  }
0xc: {  	[smem:$0x3FA8] =	sst s4  }
0xd: {  	[smem:$0x3FA9] =	sst s5  }
0xe: {  	[smem:$0x3FAA] =	sst s6  }
0xf: {  	[smem:$0x3FAB] =	sst s7  }
0x10: {  	[smem:$0x3FAC] =	sst s8  }
0x11: {  	[smem:$0x3FAD] =	sst s9;
	s0 =	simm.s32 @!p0 $0x0  }
0x12: {  	s1 =	sld [smem:$0x3F93];
	s0 =	simm.s32 @p0 $0x1  }
0x13: {  	[smem:$0x3FAE] =	sst s0;
	s0 =	simm.s32 @!p1 $0x0  }
0x14: {  	s2 =	sld [smem:$0x3F92];
	s0 =	simm.s32 @p1 $0x1  }
0x15: {  	[smem:$0x3FAF] =	sst s0;
	s0 =	simm.s32 @!p2 $0x0  }
0x16: {  	s3 =	sld [smem:$0x3FDB];
	s0 =	simm.s32 @p2 $0x1  }
0x17: {  	s4 =	simm.s32 $0x1BF5;
	[smem:$0x3FB1] =	sst s0  }
0x18: {  	s0 =	sld [smem:$0x3F94];
	_ =	swait.ge [sflag:s4], $0x0  }
0x19: {  	s7 =	sld [smem:$0x3F95]  }
0x1a: {  	s8 =	sadd.s32 $0xFFFFE003, lr  }
0x1b: {  	s9 =	sadd.s32 $0xFFFFFEF7, lr;
	s5 =	simm.s32 $0xFFFFFFFF;
	p2 =	slt.u32 s8, $0xFFFFF086  }
0x1c: {  	p1 =	slt.u32 s9, $0xF7A;
	s5 =	simm.s32 @!p2 $0x0  }
0x1d: {  	s5 =	simm.s32 @p1 $0x1;
	p0 =	seq.s32 s7, s2  }
0x1e: {  	s7 =	smul.u32 @!p0 $0xF7A, s2;
	p2 =	seq.s32 @!p0 s5, $0x0  }
0x1f: {  	s9 =	smul.u32 $0xF7A, s1;
	s8 =	simm.s32 @!p0 $0x1BF5;
	p2 =	por !p2, p0  }
0x20: {  	[sflag:s8] =	ssyncset.s32 @!p0 $0xFFFFF086;
	s6 =	sadd.s32 @!p0 s3, s7;
	s7 =	simm.s32 @!p0 $0x108  }
0x21: {  	s3 =	sadd.s32 s3, s9;
	s6 =	sadd.s32 @!p0 $0x88, s6;
	s7 =	simm.s32 @p2 $0x1082  }
0x22: {  	[simem:s7], [sflag:s8] =	dma.local @!p0 [hbm:s6], $0xF7A  }
0x23: {  	s9 =	sor.u32 $0xD0000000, s2;
	s6 =	simm.s32 $0x108;
	_ =	swait.ge @!p0 [sflag:s8], $0x0  }
0x24: {  	s3 =	sadd.s32 $0x88, s3;
	s6 =	simm.s32 @!p1 $0x1082;
	[sflag:s4] =	ssyncset.s32 $0xFFFFF086  }
0x25: {  	[simem:s6], [sflag:s4] =	dma.local [hbm:s3], $0xF7A  }
0x26: {  	[smem:$0x3F95] =	sst s1;
	(tag) =	ssettag s2;
	_ =	strace s9  }
0x27: {  	s1 =	sld [smem:$0x3FA5]  }
0x28: {  	s2 =	sld [smem:$0x3FA6]  }
0x29: {  	s4 =	sld [smem:$0x3FA8]  }
0x2a: {  	p0 =	seq.s32 s5, $0x0;
	s5 =	sld [smem:$0x3FA9]  }
0x2b: {  	s6 =	sld [smem:$0x3FAA]  }
0x2c: {  	s7 =	sld [smem:$0x3FAB]  }
0x2d: {  	s3 =	simm.s32 $0x108;
	s8 =	sld [smem:$0x3FAC]  }
0x2e: {  	s3 =	simm.s32 @!p0 $0x1082;
	s9 =	sld [smem:$0x3FAD]  }
0x2f: {  	lr =	sadd.s32 s0, s3;
	s0 =	sld [smem:$0x3FA4]  }
0x30: {  	s3 =	sld [smem:$0x3FA7]  }
0x31: {  	[smem:$0x3FB0] =	sst s10  }
0x32: {  	s10 =	sld [smem:$0x3FAE];
	_ =	sdelay $0x3  }
0x33: {  	p0 =	seq.s32 s10, $0x1;
	s10 =	sld [smem:$0x3FB0];
	_ =	sdelay $0x3  }
0x34: {  	[smem:$0x3FB0] =	sst s10  }
0x35: {  	s10 =	sld [smem:$0x3FAF];
	_ =	sdelay $0x3  }
0x36: {  	p1 =	seq.s32 s10, $0x1;
	s10 =	sld [smem:$0x3FB0];
	_ =	sdelay $0x3  }
0x37: {  	[smem:$0x3FB0] =	sst s10  }
0x38: {  	s10 =	sld [smem:$0x3FB1]  }
0x39: {  	_ = 	snop;
	(pc) =	sbr.ind lr, $3  }
0x3a: {  	_ = 	snop  }
0x3b: {  	_ = 	snop  }
0x3c: {  	p2 =	seq.s32 s10, $0x1;
	s10 =	sld [smem:$0x3FB0]  }
0x3d: {  	_ =	shalt  }
0x3e: {  	_ =	shalt  }
0x3f: {  	_ =	shalt  }
0x40: {  	_ =	shalt  }
0x41: {  	_ =	shalt  }
0x42: {  	_ =	shalt  }
0x43: {  	_ =	shalt  }
0x44: {  	_ =	shalt  }
0x45: {  	_ =	shalt  }
0x46: {  	_ =	shalt  }
0x47: {  	_ =	shalt  }
0x48: {  	_ =	shalt  }
0x49: {  	_ =	shalt  }
0x4a: {  	_ =	shalt  }
0x4b: {  	_ =	shalt  }
0x4c: {  	_ =	shalt  }
0x4d: {  	_ =	shalt  }
0x4e: {  	_ =	shalt  }
0x4f: {  	_ =	shalt  }
0x50: {  	_ =	shalt  }
0x51: {  	_ =	shalt  }
0x52: {  	_ =	shalt  }
0x53: {  	_ =	shalt  }
0x54: {  	_ =	shalt  }
0x55: {  	_ =	shalt  }
0x56: {  	_ =	shalt  }
0x57: {  	_ =	shalt  }
0x58: {  	_ =	shalt  }
0x59: {  	_ =	shalt  }
0x5a: {  	_ =	shalt  }
0x5b: {  	_ =	shalt  }
0x5c: {  	_ =	shalt  }
0x5d: {  	_ =	shalt  }
0x5e: {  	_ =	shalt  }
0x5f: {  	_ =	shalt  }
0x60: {  	_ =	shalt  }
0x61: {  	_ =	shalt  }
0x62: {  	_ =	shalt  }
0x63: {  	_ =	shalt  }
0x64: {  	_ =	shalt  }
0x65: {  	_ =	shalt  }
0x66: {  	_ =	shalt  }
0x67: {  	_ =	shalt  }
0x68: {  	_ =	shalt  }
0x69: {  	_ =	shalt  }
0x6a: {  	_ =	shalt  }
0x6b: {  	_ =	shalt  }
0x6c: {  	_ =	shalt  }
0x6d: {  	_ =	shalt  }
0x6e: {  	_ =	shalt  }
0x6f: {  	_ =	shalt  }
0x70: {  	_ =	shalt  }
0x71: {  	_ =	shalt  }
0x72: {  	_ =	shalt  }
0x73: {  	_ =	shalt  }
0x74: {  	_ =	shalt  }
0x75: {  	_ =	shalt  }
0x76: {  	_ =	shalt  }
0x77: {  	_ =	shalt  }
0x78: {  	_ =	shalt  }
0x79: {  	_ =	shalt  }
0x7a: {  	_ =	shalt  }
0x7b: {  	_ =	shalt  }
0x7c: {  	_ =	shalt  }
0x7d: {  	_ =	shalt  }
0x7e: {  	_ =	shalt  }
0x7f: {  	_ =	shalt  }
0x80: {  	_ =	shalt  }
0x81: {  	_ =	shalt  }
0x82: {  	_ =	shalt  }
0x83: {  	_ =	shalt  }
0x84: {  	_ =	shalt  }
0x85: {  	_ =	shalt  }
0x86: {  	_ =	shalt  }
0x87: {  	_ =	shalt  }
.Lfunc_end0:
.L_simem_size_0:
called_computation.1_lowered:
.L_overlay_start_0:
0x88: {  	s2 =	sld [smem:$0x3FD9]  }
0x89: {  	s3 =	sld [smem:$0x3FFE];
	_ =	sdelay $0x1  }
0x8a: {  	s1 =	srdreg.scid  }
0x8b: {  	s0 =	sand.u32 $0x1, s1  }
0x8c: {  	s17 =	sshll.u32 s0, $0xA;
	s2 =	sadd.s32 s3, s2  }
0x8d: {  	s2 =	sadd.s32 s2, s17  }
0x8e: {  	[smem:$0x3FBC] =	sst s2  }
0x8f: {  	_ = 	snop  }
0x90: {  	s2 =	sld [smem:$0x3FD0];
	(tm) =	ssettm $0x1  }
0x91: {  	s18 =	sld [smem:$0x3FFB];
	_ =	sdelay $0x3  }
0x92: {  	_ =	strace s18  }
0x93: {  	s3 =	sld [smem:$0x3FFC];
	_ =	sdelay $0x3  }
0x94: {  	_ =	strace s3  }
0x95: {  	s3 =	sld [smem:$0x3FFD];
	_ =	sdelay $0x3  }
0x96: {  	_ =	strace s3  }
0x97: {  	_ =	strace $0x8FFFFFFF  }
0x98: {  	s19 =	sld [smem:$0x3FDB];
	_ =	sdelay $0x1  }
0x99: {  	s4 =	simm.s32 $_scs_section_size  }
0x9a: {  	s5 =	simm.s32 $_size__tile_overlayer_lowered;
	s6 =	simm.s32 $_tile_overlayer_lowered  }
0x9b: {  	s22 =	simm.s32 $0x1BFF;
	s21 =	sshll.u32 s6, $0x1;
	s3 =	sadd.s32 s4, s19  }
0x9c: {  	s7 =	simm.s32 $0x0;
	s20 =	sshll.u32 s5, $0x1;
	s5 =	sadd.s32 s21, s3  }
0x9d: {  	[timem:s7], [sflag:s22] =	dma.local [hbm:s5], s20  }
0x9e: {  	_ =	swait.ge [sflag:s22], s20  }
0x9f: {  	s4 =	ssub.s32 $0x0, s20;
	[sflag:s22] =	ssyncset.done $0x0  }
0xa0: {  	[sflag:s22] =	ssyncadd.s32 s4;
	_ =	sdelay $0x1  }
0xa1: {  	s23 =	simm.s32 $0x1B8B  }
0xa2: {  	_ =	swait.ge [sflag:s23], $0x1  }
0xa3: {  	[sflag:s23] =	ssyncset.done $0x0  }
0xa4: {  	s25 =	simm.s32 $0x1B8E;
	s24 =	sld [smem:$0x3FFE];
	[sflag:s23] =	ssyncadd.s32 $0xFFFFFFFF  }
0xa5: {  	s26 =	simm.s32 $execute0_lowered;
	[smem:$0x3FD2] =	sst s25  }
0xa6: {  	s5 =	sshll.u32 s26, $0x1;
	_ =	strace $0x80000049;
	[dreg:$0x1] =	wrdreg $0xFFFFFFFF  }
0xa7: {  	s28 =	simm.s32 $_size_execute0_lowered;
	s3 =	sadd.s32 s3, s5;
	[dreg:$0x0] =	wrdreg $0x0  }
0xa8: {  	s5 =	sshll.u32 s28, $0x1;
	[dreg:$0x2] =	wrdreg s3  }
0xa9: {  	[dreg:$0x3] =	wrdreg s5  }
0xaa: {  	[dreg:$0x4] =	wrdreg $0xC0  }
0xab: {  	_ =	task [dreg:s7], $0x5FFFF  }
0xac: {  	[dreg:$0x1] =	wrdreg $0xFFFFFFFF  }
0xad: {  	[dreg:$0x0] =	wrdreg $0x60  }
0xae: {  	[dreg:$0x2] =	wrdreg s24  }
0xaf: {  	[dreg:$0x3] =	wrdreg s2  }
0xb0: {  	[dreg:$0x4] =	wrdreg $0xA8000  }
0xb1: {  	[dreg:$0x5] =	wrdreg $0x9  }
0xb2: {  	_ =	task.clear_ibuf [dreg:s7], $0x6FFFF;
	_ =	strace $0x90000049  }
0xb3: {  	s29 =	simm.s32 $0x9;
	_ =	strace $0x8000004B  }
0xb4: {  	_ =	swait.ge [sflag:s29], $0x1  }
0xb5: {  	[sflag:s29] =	ssyncadd.s32 $0xFFFFFFFF  }
0xb6: {  	_ =	strace $0x9000004B  }
0xb7: {  	_ =	sfence  }
0xb8: {  	s30 =	sld [smem:$0x0];
	_ =	sdelay $0x2  }
0xb9: {  	s31 =	sshll.u32 s1, $0xD;
	s1 =	sshrl.u32 s1, $0x2  }
0xba: {  	s3 =	sand.u32 $0x4000, s31;
	s1 =	sadd.s32 s1, s30  }
0xbb: {  	s0 =	sor.u32 s3, s0;
	s1 =	sshll.u32 s1, $0x11  }
0xbc: {  	s0 =	sor.u32 s1, s0  }
0xbd: {  	s0 =	sadd.s32 $0x8F2B, s0  }
0xbe: {  	[sflag:s0] =	ssyncadd.remote.s32 $0x1  }
0xbf: {  	_ =	sfence.sel $0xFFFF  }
0xc0: {  	[dreg:$0x0] =	wrdreg $0xFFFFFFFF;
	(pc) =	sbr.abs _section_cstart, $3  }
0xc1: {  	[dreg:$0x1] =	wrdreg $0xFFFFFFFF  }
0xc2: {  	_ =	task.clear_ibuf [dreg:s7], $0x2FFFF;
	_ =	strace $0x9FFFFFFF  }
0xc3: {  	(tm) =	ssettm $0x7FFFFFFF  }
tec
execute0_lowered:
.L_overlay_start_1:
0x0: {  	(tag) =	ssettag $0x1  }
0x1: {  	s5 =	rddreg [dreg:$0x0]  }
0x2: {  	s9 =	rddreg [dreg:$0x1]  }
0x3: {  	s2 =	rddreg [dreg:$0x2]  }
0x4: {  	s0 =	rddreg [dreg:$0x3];
	s1 =	stileid.u32  }
0x5: {  	s4 =	srdreg.scid;
	s3 =	simm.s32 $0x0;
	s17 =	simm.s32 $0x2800  }
0x6: {  	s18 =	simm.s32 $0x1;
	s19 =	simm.s32 $0x6800;
	s20 =	simm.s32 $0x2  }
0x7: {  	s21 =	simm.s32 $0x1380;
	s22 =	simm.s32 $0x2700;
	s23 =	simm.s32 $0x2780  }
0x8: {  	s24 =	simm.s32 $0x0;
	s6 =	smul.u32 $0x14000, s1;
	s7 =	sand.u32 $0x1, s4  }
0x9: {  	[smem:$0x7FF] =	sst s3;
	s4 =	sadd.s32 $0x34400, s5;
	s11 =	sadd.s32 $0x2400, s5  }
0xa: {  	s25 =	smul.u32 $0x50000, s1;
	s12 =	sshll.u32 s1, $0x2;
	s28 =	sshll.u32 s1, $0x6  }
0xb: {  	s8 =	smul.u32 $0x140000, s7;
	_ =	strace $0x8000004A;
	s13 =	sshll.u32 s7, $0x1  }
0xc: {  	s7 =	ssub.s32 $0x2, s7;
	s10 =	sshrl.u32 s6, $0x3;
	s12 =	sor.u32 s13, s12  }
0xd: {  	s26 =	sshrl.u32 s7, $0x1;
	s10 =	sadd.s32 s10, s5;
	s6 =	sadd.s32 s6, s8  }
0xe: {  	s8 =	sshrl.u32 s25, $0x2;
	s14 =	smul.u32 $0x1400, s12;
	s13 =	ssub.s32 s7, s26  }
0xf: {  	s29 =	smul.u32 $0x280, s12;
	s6 =	sshrl.u32 s6, $0x3;
	s16 =	sadd.s32 s8, s2  }
0x10: {  	s12 =	smax.u32 s13, $0x1;
	s15 =	sadd.s32 s6, s5;
	s30 =	sshrl.u32 s14, $0x3  }
0x11: {  	s5 =	sadd.s32 $0xC400, s10;
	s6 =	sor.u32 $0x1C03, s28;
	s7 =	sadd.s32 s9, s29  }
0x12: {  	s8 =	sadd.s32 s11, s29;
	s13 =	sshrl.u32 s16, $0x3;
	s31 =	sadd.s32 $0x280, s30  }
0x13: {  	s14 =	simm.s32 $0x3;
	s16 =	simm.s32 $0x7D;
	s9 =	sadd.s32 s9, s31  }
0x14: {  	s10 =	sadd.s32 s11, s31;
	s11 =	sadd.s32 $0x5B600, s15;
	s15 =	simm.s32 $0x1400  }
.LBB2_1:
0x15: {  	[spmem:s13], [sflag:s6] =	dma.local [hbm:s5], $0x2800  }
0x16: {  	_ =	swait.ge [sflag:s14], $0x2800  }
0x17: {  	[sflag:s14] =	ssyncset.done $0x0  }
0x18: {  	[sflag:s14] =	ssyncadd.s32 $0xFFFFD800  }
0x19: {  	[bflag:$0x0] =	sbarrier.arrive $0xFFFF  }
0x1a: {  	[tilespmem:s3], [sflag:$0x3] =	stream.linear.gather [hbm4b:s7+s3], $0x1400, $0x38;
	[tilespmem:$0x1E800] =	vst v63  }
0x1b: {  	_ =	swait.ge [sflag:s14], $0x1400  }
0x1c: {  	[sflag:s14] =	ssyncset.done $0x0  }
0x1d: {  	[sflag:s14] =	ssyncadd.s32 $0xFFFFEC00  }
0x1e: {  	[tilespmem:s15], [sflag:$0x3] =	stream.linear.gather [hbm4b:s8+s3], $0x1400, $0x38;
	[tilespmem:$0x1E800] =	vst v63  }
0x1f: {  	_ =	swait.ge [sflag:s14], $0x1400  }
0x20: {  	[sflag:s14] =	ssyncset.done $0x0  }
0x21: {  	[sflag:s14] =	ssyncadd.s32 $0xFFFFEC00  }
0x22: {  	[tilespmem:s17], [sflag:$0x1] =	stream.indirect.gather [hbm4b:s4+s16], $0x80, s3, s16, $0xb8;
	[tilespmem:$0x1E800] =	vst v63  }
0x23: {  	_ =	swait.ge [sflag:s18], $0x3E80  }
0x24: {  	[sflag:s18] =	ssyncset.done $0x0  }
0x25: {  	s25 =	simm.s32 $0x80;
	[sflag:s18] =	ssyncadd.s32 $0xFFFFC180  }
0x26: {  	[tilespmem:s19], [sflag:$0x2] =	stream.indirect.gather [hbm4b:s4+s16], $0x80, s25, s16, $0xb8;
	[tilespmem:$0x1E800] =	vst v63  }
0x27: {  	s29 =	simm.s32 $0x1400  }
0x28: {  	[spmem:s2] =	stream.indirect.scatter.add.f32 [tilespmem:s17], [sflag:$0x3], $0x80, s29, s16, $0xb8;
	[tilespmem:$0x1E800] =	vst v63  }
0x29: {  	_ =	swait.ge [sflag:s14], $0x3E80  }
0x2a: {  	[sflag:s14] =	ssyncset.done $0x0  }
0x2b: {  	[sflag:s14] =	ssyncadd.s32 $0xFFFFC180  }
0x2c: {  	_ =	swait.ge [sflag:s20], $0x3E80  }
0x2d: {  	[sflag:s20] =	ssyncset.done $0x0  }
0x2e: {  	s30 =	simm.s32 $0x100;
	[sflag:s20] =	ssyncadd.s32 $0xFFFFC180  }
0x2f: {  	[tilespmem:s17], [sflag:$0x1] =	stream.indirect.gather [hbm4b:s4+s16], $0x80, s30, s16, $0xb8;
	[tilespmem:$0x1E800] =	vst v63  }
0x30: {  	s31 =	simm.s32 $0x1480  }
0x31: {  	[spmem:s2] =	stream.indirect.scatter.add.f32 [tilespmem:s19], [sflag:$0x3], $0x80, s31, s16, $0xb8;
	[tilespmem:$0x1E800] =	vst v63  }
0x32: {  	_ =	swait.ge [sflag:s14], $0x3E80  }
0x33: {  	s25 =	simm.s32 $0x400;
	[sflag:s14] =	ssyncset.done $0x0  }
.LBB2_2:
0x34: {  	p0 =	sne.s32 s25, $0x4800  }
0x35: {  	[sflag:s14] =	ssyncadd.s32 $0xFFFFC180;
	s26 =	smov.u32 s25;
	s25 =	sadd.s32 $0x400, s25  }
0x36: {  	_ = 	snop  }
0x37: {  	_ =	swait.ge [sflag:s18], $0x3E80  }
0x38: {  	s26 =	sshra.s32 s26, $0x2;
	[sflag:s18] =	ssyncset.done $0x0  }
0x39: {  	s28 =	sadd.s32 $0x80, s26;
	[sflag:s18] =	ssyncadd.s32 $0xFFFFC180  }
0x3a: {  	[tilespmem:s19], [sflag:$0x2] =	stream.indirect.gather [hbm4b:s4+s16], $0x80, s28, s16, $0xb8;
	[tilespmem:$0x1E800] =	vst v63  }
0x3b: {  	s28 =	sadd.s32 $0x1400, s26  }
0x3c: {  	[spmem:s2] =	stream.indirect.scatter.add.f32 [tilespmem:s17], [sflag:$0x3], $0x80, s28, s16, $0xb8;
	[tilespmem:$0x1E800] =	vst v63  }
0x3d: {  	_ =	swait.ge [sflag:s14], $0x3E80  }
0x3e: {  	[sflag:s14] =	ssyncset.done $0x0  }
0x3f: {  	[sflag:s14] =	ssyncadd.s32 $0xFFFFC180  }
0x40: {  	_ =	swait.ge [sflag:s20], $0x3E80  }
0x41: {  	[sflag:s20] =	ssyncset.done $0x0  }
0x42: {  	s28 =	sadd.s32 $0x100, s26;
	[sflag:s20] =	ssyncadd.s32 $0xFFFFC180  }
0x43: {  	[tilespmem:s17], [sflag:$0x1] =	stream.indirect.gather [hbm4b:s4+s16], $0x80, s28, s16, $0xb8;
	[tilespmem:$0x1E800] =	vst v63  }
.Ltmp0:
0x44: {  	_ = 	snop;
	(pc) =	sbr.rel @p0 .LBB2_2-.Ltmp0, $4  }
0x45: {  	s26 =	sadd.s32 $0x1480, s26  }
0x46: {  	[spmem:s2] =	stream.indirect.scatter.add.f32 [tilespmem:s19], [sflag:$0x3], $0x80, s26, s16, $0xb8;
	[tilespmem:$0x1E800] =	vst v63  }
0x47: {  	_ =	swait.ge [sflag:s14], $0x3E80  }
0x48: {  	[sflag:s14] =	ssyncset.done $0x0  }
0x49: {  	[sflag:s14] =	ssyncadd.s32 $0xFFFFC180  }
0x4a: {  	_ =	swait.ge [sflag:s18], $0x3E80  }
0x4b: {  	[sflag:s18] =	ssyncset.done $0x0  }
0x4c: {  	[sflag:s18] =	ssyncadd.s32 $0xFFFFC180  }
0x4d: {  	[tilespmem:s19], [sflag:$0x2] =	stream.indirect.gather [hbm4b:s4+s16], $0x80, s21, s16, $0xb8;
	[tilespmem:$0x1E800] =	vst v63  }
0x4e: {  	_ = 	snop  }
0x4f: {  	[spmem:s2] =	stream.indirect.scatter.add.f32 [tilespmem:s17], [sflag:$0x3], $0x80, s22, s16, $0xb8;
	[tilespmem:$0x1E800] =	vst v63  }
0x50: {  	_ =	swait.ge [sflag:s14], $0x3E80  }
0x51: {  	[sflag:s14] =	ssyncset.done $0x0  }
0x52: {  	[sflag:s14] =	ssyncadd.s32 $0xFFFFC180  }
0x53: {  	_ =	swait.ge [sflag:s20], $0x3E80  }
0x54: {  	[sflag:s20] =	ssyncset.done $0x0  }
0x55: {  	[sflag:s20] =	ssyncadd.s32 $0xFFFFC180  }
0x56: {  	[spmem:s2] =	stream.indirect.scatter.add.f32 [tilespmem:s19], [sflag:$0x3], $0x80, s23, s16, $0xb8;
	[tilespmem:$0x1E800] =	vst v63  }
0x57: {  	_ =	swait.ge [sflag:s14], $0x3E80  }
0x58: {  	[sflag:s14] =	ssyncset.done $0x0  }
0x59: {  	s25 =	simm.s32 $0x0;
	[sflag:s14] =	ssyncadd.s32 $0xFFFFC180  }
0x5a: {  	[tilespmem:s25], [sflag:$0x3] =	stream.linear.gather [hbm4b:s9+s25], $0x1400, $0x38;
	[tilespmem:$0x1E800] =	vst v63  }
0x5b: {  	_ =	swait.ge [sflag:s14], $0x1400  }
0x5c: {  	[sflag:s14] =	ssyncset.done $0x0  }
0x5d: {  	[sflag:s14] =	ssyncadd.s32 $0xFFFFEC00  }
0x5e: {  	[tilespmem:s15], [sflag:$0x3] =	stream.linear.gather [hbm4b:s10+s25], $0x1400, $0x38;
	[tilespmem:$0x1E800] =	vst v63  }
0x5f: {  	_ =	swait.ge [sflag:s14], $0x1400  }
0x60: {  	[sflag:s14] =	ssyncset.done $0x0  }
0x61: {  	[sflag:s14] =	ssyncadd.s32 $0xFFFFEC00  }
0x62: {  	[tilespmem:s17], [sflag:$0x1] =	stream.indirect.gather [hbm4b:s4+s16], $0x80, s25, s16, $0xb8;
	[tilespmem:$0x1E800] =	vst v63  }
0x63: {  	_ =	swait.ge [sflag:s18], $0x3E80  }
0x64: {  	[sflag:s18] =	ssyncset.done $0x0  }
0x65: {  	s28 =	simm.s32 $0x80;
	[sflag:s18] =	ssyncadd.s32 $0xFFFFC180  }
0x66: {  	[tilespmem:s19], [sflag:$0x2] =	stream.indirect.gather [hbm4b:s4+s16], $0x80, s28, s16, $0xb8;
	[tilespmem:$0x1E800] =	vst v63  }
0x67: {  	s29 =	simm.s32 $0x1400  }
0x68: {  	[spmem:s2] =	stream.indirect.scatter.add.f32 [tilespmem:s17], [sflag:$0x3], $0x80, s29, s16, $0xb8;
	[tilespmem:$0x1E800] =	vst v63  }
0x69: {  	_ =	swait.ge [sflag:s14], $0x3E80  }
0x6a: {  	[sflag:s14] =	ssyncset.done $0x0  }
0x6b: {  	[sflag:s14] =	ssyncadd.s32 $0xFFFFC180  }
0x6c: {  	_ =	swait.ge [sflag:s20], $0x3E80  }
0x6d: {  	[sflag:s20] =	ssyncset.done $0x0  }
0x6e: {  	s30 =	simm.s32 $0x100;
	[sflag:s20] =	ssyncadd.s32 $0xFFFFC180  }
0x6f: {  	[tilespmem:s17], [sflag:$0x1] =	stream.indirect.gather [hbm4b:s4+s16], $0x80, s30, s16, $0xb8;
	[tilespmem:$0x1E800] =	vst v63  }
0x70: {  	s31 =	simm.s32 $0x1480  }
0x71: {  	[spmem:s2] =	stream.indirect.scatter.add.f32 [tilespmem:s19], [sflag:$0x3], $0x80, s31, s16, $0xb8;
	[tilespmem:$0x1E800] =	vst v63  }
0x72: {  	_ =	swait.ge [sflag:s14], $0x3E80  }
0x73: {  	s25 =	simm.s32 $0x400;
	[sflag:s14] =	ssyncset.done $0x0  }
.LBB2_4:
0x74: {  	p0 =	sne.s32 s25, $0x4800  }
0x75: {  	[sflag:s14] =	ssyncadd.s32 $0xFFFFC180;
	s26 =	smov.u32 s25;
	s25 =	sadd.s32 $0x400, s25  }
0x76: {  	_ = 	snop  }
0x77: {  	_ =	swait.ge [sflag:s18], $0x3E80  }
0x78: {  	s26 =	sshra.s32 s26, $0x2;
	[sflag:s18] =	ssyncset.done $0x0  }
0x79: {  	s28 =	sadd.s32 $0x80, s26;
	[sflag:s18] =	ssyncadd.s32 $0xFFFFC180  }
0x7a: {  	[tilespmem:s19], [sflag:$0x2] =	stream.indirect.gather [hbm4b:s4+s16], $0x80, s28, s16, $0xb8;
	[tilespmem:$0x1E800] =	vst v63  }
0x7b: {  	s28 =	sadd.s32 $0x1400, s26  }
0x7c: {  	[spmem:s2] =	stream.indirect.scatter.add.f32 [tilespmem:s17], [sflag:$0x3], $0x80, s28, s16, $0xb8;
	[tilespmem:$0x1E800] =	vst v63  }
0x7d: {  	_ =	swait.ge [sflag:s14], $0x3E80  }
0x7e: {  	[sflag:s14] =	ssyncset.done $0x0  }
0x7f: {  	[sflag:s14] =	ssyncadd.s32 $0xFFFFC180  }
0x80: {  	_ =	swait.ge [sflag:s20], $0x3E80  }
0x81: {  	[sflag:s20] =	ssyncset.done $0x0  }
0x82: {  	s28 =	sadd.s32 $0x100, s26;
	[sflag:s20] =	ssyncadd.s32 $0xFFFFC180  }
0x83: {  	[tilespmem:s17], [sflag:$0x1] =	stream.indirect.gather [hbm4b:s4+s16], $0x80, s28, s16, $0xb8;
	[tilespmem:$0x1E800] =	vst v63  }
.Ltmp1:
0x84: {  	_ = 	snop;
	(pc) =	sbr.rel @p0 .LBB2_4-.Ltmp1, $4  }
0x85: {  	s26 =	sadd.s32 $0x1480, s26  }
0x86: {  	[spmem:s2] =	stream.indirect.scatter.add.f32 [tilespmem:s19], [sflag:$0x3], $0x80, s26, s16, $0xb8;
	[tilespmem:$0x1E800] =	vst v63  }
0x87: {  	_ =	swait.ge [sflag:s14], $0x3E80  }
0x88: {  	[sflag:s14] =	ssyncset.done $0x0  }
0x89: {  	[sflag:s14] =	ssyncadd.s32 $0xFFFFC180  }
0x8a: {  	_ =	swait.ge [sflag:s18], $0x3E80  }
0x8b: {  	[sflag:s18] =	ssyncset.done $0x0  }
0x8c: {  	[sflag:s18] =	ssyncadd.s32 $0xFFFFC180  }
0x8d: {  	[tilespmem:s19], [sflag:$0x2] =	stream.indirect.gather [hbm4b:s4+s16], $0x80, s21, s16, $0xb8;
	[tilespmem:$0x1E800] =	vst v63  }
0x8e: {  	_ = 	snop  }
0x8f: {  	[spmem:s2] =	stream.indirect.scatter.add.f32 [tilespmem:s17], [sflag:$0x3], $0x80, s22, s16, $0xb8;
	[tilespmem:$0x1E800] =	vst v63  }
0x90: {  	_ =	swait.ge [sflag:s14], $0x3E80  }
0x91: {  	[sflag:s14] =	ssyncset.done $0x0  }
0x92: {  	[sflag:s14] =	ssyncadd.s32 $0xFFFFC180  }
0x93: {  	_ =	swait.ge [sflag:s20], $0x3E80  }
0x94: {  	[sflag:s20] =	ssyncset.done $0x0  }
0x95: {  	[sflag:s20] =	ssyncadd.s32 $0xFFFFC180  }
0x96: {  	[spmem:s2] =	stream.indirect.scatter.add.f32 [tilespmem:s19], [sflag:$0x3], $0x80, s23, s16, $0xb8;
	[tilespmem:$0x1E800] =	vst v63  }
0x97: {  	_ =	swait.ge [sflag:s14], $0x3E80  }
0x98: {  	s24 =	sadd.s32 $0x1, s24;
	[sflag:s14] =	ssyncset.done $0x0  }
0x99: {  	p0 =	sne.s32 s24, s12;
	[sflag:s14] =	ssyncadd.s32 $0xFFFFC180  }
.Ltmp2:
0x9a: {  	[bflag:$0x0] =	sbarrier.arrive $0xFFFF;
	(pc) =	sbr.rel @p0 .LBB2_1-.Ltmp2, $4  }
0x9b: {  	[hbm:s11], [sflag:s6] =	dma.local [spmem:s13], $0x2800  }
0x9c: {  	_ =	swait.ge [sflag:s14], $0x2800  }
0x9d: {  	[sflag:s14] =	ssyncset.done $0x0  }
0x9e: {  	[sflag:s14] =	ssyncadd.s32 $0xFFFFD800  }
0x9f: {  	_ =	sfence.sel $0x180000  }
0xa0: {  	[bflag:$0x0] =	sbarrier.arrive $0xFFFF  }
0xa1: {  	p0 =	sne.s32 s1, $0x0;
	_ =	strace $0x9000004A  }
0xa2: {  	s0 =	sadd.s32 @!p0 $0x100000, s0;
	[bflag:$0x2] =	sbarrier.arrive $0xFFFF  }
0xa3: {  	[sflag:s0] =	ssyncadd.tile.s32 @!p0 $0x1;
	_ =	shalt  }
.Lfunc_end2:
_tile_overlayer_lowered:
.L_overlay_start_2:
0xa4: {  	(tag) =	ssettag $0x2  }
0xa5: {  	s0 =	rddreg [dreg:$0x0];
	s2 =	stileid.u32  }
0xa6: {  	s1 =	rddreg [dreg:$0x1];
	p0 =	sne.s32 s2, $0x0  }
0xa7: {  	s3 =	rddreg [dreg:$0x2];
	[bflag:$0x3] =	sbarrier.arrive $0xFFFF;
	s2 =	simm.s32 @!p0 $0x1C03  }
0xa8: {  	[timem:s3], [sflag:s2] =	dma.local @!p0 [hbm:s0], s1  }
0xa9: {  	s0 =	simm.s32 @!p0 $0x3  }
0xaa: {  	_ =	swait.ge @!p0 [sflag:s0], s1  }
0xab: {  	s1 =	ssub.s32 @!p0 $0x0, s1;
	[sflag:s0] =	ssyncset.done @!p0 $0x0  }
0xac: {  	[sflag:s0] =	ssyncadd.s32 @!p0 s1  }
0xad: {  	[bflag:$0x3] =	sbarrier.arrive $0xFFFF  }
0xae: {  	_ =	shalt  }

</sc_bundles>
